<compile_context>
chip_gen: v7x
topology: tpu7x:2x2x1
jax: 0.10.2.dev20260603
libtpu: 0.0.44.dev20260713+nightly
codegen_flags: <defaults>
</compile_context>

<pallas_src>
import functools

import jax
import jax.numpy as jnp
from jax import lax
from jax.experimental import pallas as pl
from jax.experimental.pallas import tpu as pltpu
from jax.experimental.pallas import tpu_sc as plsc

_VOCAB = 1000002
_EMB = 64
_DIM = 256
_NCLS = 2
_B = 4096
_L = 200
_EPS = 1e-5

_NC = 2
_NS = 16
_NW = _NC * _NS
_BPW = _B // _NW
_CHUNKS = ((0, 104), (104, 96))


def _pool_body(x_hbm, table_hbm, out_hbm, idx_v, rows_v, out_v,
               isem0, isem1, sem0, sem1):
    wid = lax.axis_index("s") * _NC + lax.axis_index("c")
    base = wid * _BPW
    sems = (sem0, sem1)
    isems = (isem0, isem1)

    def start_idx(i, buf):
        pltpu.async_copy(x_hbm.at[i], idx_v.at[pl.ds(buf * _L, _L)],
                         isems[buf])

    def wait_idx(buf):
        pltpu.make_async_copy(x_hbm.at[0], idx_v.at[pl.ds(buf * _L, _L)],
                              isems[buf]).wait()

    def start(buf):
        for off, n in _CHUNKS:
            pltpu.async_copy(
                table_hbm.at[idx_v.at[pl.ds(buf * _L + off, n)]],
                rows_v.at[pl.ds(buf * _L + off, n)],
                sems[buf],
            )

    def drain(buf):
        for off, n in _CHUNKS:
            pltpu.make_async_copy(
                table_hbm.at[pl.ds(0, n)],
                rows_v.at[pl.ds(buf * _L + off, n)],
                sems[buf],
            ).wait()

    def acc_store(i, buf):
        zero = jnp.zeros((16,), jnp.float32)
        rbase = buf * _L

        def acc_fn(r, carry):
            a0, a1, a2, a3 = carry
            a0 = a0 + rows_v[rbase + r, pl.ds(0, 16)]
            a1 = a1 + rows_v[rbase + r, pl.ds(16, 16)]
            a2 = a2 + rows_v[rbase + r, pl.ds(32, 16)]
            a3 = a3 + rows_v[rbase + r, pl.ds(48, 16)]
            return a0, a1, a2, a3

        a0, a1, a2, a3 = lax.fori_loop(
            0, _L, acc_fn, (zero, zero, zero, zero), unroll=2
        )
        scale = jnp.float32(1.0 / _L)
        out_v[pl.ds(0, 16)] = a0 * scale
        out_v[pl.ds(16, 16)] = a1 * scale
        out_v[pl.ds(32, 16)] = a2 * scale
        out_v[pl.ds(48, 16)] = a3 * scale
        pltpu.sync_copy(out_v, out_hbm.at[base + i])

    start_idx(base, 0)
    start_idx(base + 1, 1)
    wait_idx(0)
    start(0)

    def pair_fn(k, _):
        i0 = 2 * k
        wait_idx(1)
        start(1)
        drain(0)
        start_idx(base + jnp.minimum(i0 + 2, _BPW - 1), 0)
        acc_store(i0, 0)
        wait_idx(0)
        start(0)
        drain(1)
        start_idx(base + jnp.minimum(i0 + 3, _BPW - 1), 1)
        acc_store(i0 + 1, 1)
        return ()

    lax.fori_loop(0, _BPW // 2, pair_fn, ())
    wait_idx(1)
    drain(0)


@functools.partial(jax.jit, static_argnames=())
def _pool_mean(x2, table):
    mesh = plsc.VectorSubcoreMesh(core_axis_name="c", subcore_axis_name="s")
    k = pl.kernel(
        _pool_body,
        out_type=jax.ShapeDtypeStruct((_B, _EMB), jnp.float32),
        mesh=mesh,
        scratch_types=[
            pltpu.VMEM((2 * _L,), jnp.int32),
            pltpu.VMEM((2 * _L, _EMB), jnp.float32),
            pltpu.VMEM((_EMB,), jnp.float32),
            pltpu.SemaphoreType.DMA,
            pltpu.SemaphoreType.DMA,
            pltpu.SemaphoreType.DMA,
            pltpu.SemaphoreType.DMA,
        ],
        compiler_params=pltpu.CompilerParams(use_tc_tiling_on_sc=False),
    )
    return k(x2, table)


_VB = 4096
_VGRID = -(-_VOCAB // _VB)
_VPAD = _VGRID * _VB


def _detile_body(tT_ref, out_ref):
    blk = tT_ref[...]
    left = blk[:, : _VB // 2].T
    right = blk[:, _VB // 2 :].T
    out_ref[...] = jnp.concatenate([left, right], axis=1)


def _detile(tT):
    return pl.pallas_call(
        _detile_body,
        grid=(_VGRID,),
        in_specs=[pl.BlockSpec((_EMB, _VB), lambda i: (0, i))],
        out_specs=pl.BlockSpec((_VB // 2, 2 * _EMB), lambda i: (i, 0)),
        out_shape=jax.ShapeDtypeStruct((_VPAD // 2, 2 * _EMB), jnp.float32),
    )(tT)


def _mlp_body(h_ref, g1_ref, b1_ref, W1_ref, bf1_ref, g2_ref, b2_ref,
              W2_ref, bf2_ref, out_ref):
    h = h_ref[...]
    mu1 = jnp.mean(h, axis=0, keepdims=True)
    d1 = h - mu1
    var1 = jnp.mean(d1 * d1, axis=0, keepdims=True)
    h = d1 * lax.rsqrt(var1 + _EPS) * g1_ref[...] + b1_ref[...]
    h = lax.dot_general(h, W1_ref[...], (((1,), (1,)), ((), ())),
                        preferred_element_type=jnp.float32) + bf1_ref[...]
    mu2 = jnp.mean(h, axis=0, keepdims=True)
    d2 = h - mu2
    var2 = jnp.mean(d2 * d2, axis=0, keepdims=True)
    h = d2 * lax.rsqrt(var2 + _EPS) * g2_ref[...] + b2_ref[...]
    out = lax.dot_general(h, W2_ref[...], (((1,), (1,)), ((), ())),
                          preferred_element_type=jnp.float32) + bf2_ref[...]
    out_ref[...] = out


def _mlp(h, g1, b1, W1, bf1, g2, b2, W2, bf2):
    return pl.pallas_call(
        _mlp_body,
        out_shape=jax.ShapeDtypeStruct((_B, _NCLS), jnp.float32),
    )(h, g1.reshape(1, _EMB), b1.reshape(1, _EMB), W1, bf1.reshape(1, _DIM),
      g2.reshape(1, _DIM), b2.reshape(1, _DIM), W2, bf2.reshape(1, _NCLS))


def kernel(x, table, g1, b1, W1, bf1, g2, b2, W2, bf2):
    table_lin = _detile(table.T).reshape(_VPAD, _EMB)
    xr = (x & ~0xFFF) | ((x & 0x7FF) << 1) | ((x >> 11) & 1)
    h = _pool_mean(xr, table_lin)
    return _mlp(h, g1, b1, W1, bf1, g2, b2, W2, bf2)

# --- scband reference (transcript-rebuilt; emitter-appended) ---
"""Pipeline reference for scband-dan-34385508172161 (READ-ONLY COPY).

The authoritative reference and input builder live on the scoring server;
editing this copy changes nothing except your own understanding.
"""

import jax, jax.numpy as jnp
import numpy as np

VOCAB = 1000000 + 2  # w2v rows + 2 special tokens, per DAN.__init__
EMB = 64
DIM = 256
NCLS = 2
B = 4096
L = 200
EPS = 1e-5


def setup_inputs(seed: int = 0) -> dict:
    key = jax.random.key(seed)
    ks = jax.random.split(key, 8)
    return {
        "x": jax.random.randint(ks[0], (B, L), 0, VOCAB, dtype=jnp.int32),
        "table": jax.random.normal(ks[1], (VOCAB, EMB), dtype=jnp.float32) * 0.02,
        "g1": jnp.ones((EMB,), dtype=jnp.float32),
        "b1": jnp.zeros((EMB,), dtype=jnp.float32),
        "W1": jax.random.normal(ks[2], (DIM, EMB), dtype=jnp.float32) * (1.0 / np.sqrt(EMB)),
        "bf1": jnp.zeros((DIM,), dtype=jnp.float32),
        "g2": jnp.ones((DIM,), dtype=jnp.float32),
        "b2": jnp.zeros((DIM,), dtype=jnp.float32),
        "W2": jax.random.normal(ks[3], (NCLS, DIM), dtype=jnp.float32) * (1.0 / np.sqrt(DIM)),
        "bf2": jnp.zeros((NCLS,), dtype=jnp.float32),
    }


def reference(x, table, g1, b1, W1, bf1, g2, b2, W2, bf2):
    # embedding lookup (memory-bound gather)
    emb_x = jnp.take(table, x, axis=0)           # [B, L, EMB]
    h = emb_x.mean(axis=1)                        # [B, EMB] (deep averaging)
    # dropout1: identity (eval mode / deterministic reference)
    # bn1 (batch statistics, training-mode semantics of nn.BatchNorm1d)
    mu1 = h.mean(axis=0)
    var1 = h.var(axis=0)
    h = (h - mu1) / jnp.sqrt(var1 + EPS) * g1 + b1
    # fc1
    h = h @ W1.T + bf1                            # [B, DIM]
    # dropout2: identity
    # bn2
    mu2 = h.mean(axis=0)
    var2 = h.var(axis=0)
    h = (h - mu2) / jnp.sqrt(var2 + EPS) * g2 + b2
    # fc2
    logit = h @ W2.T + bf2                        # [B, NCLS]
    return logit

if __name__ == "__main__":
    import jax
    _d = setup_inputs()
    print(jax.jit(kernel)(*tuple(_d.values())))

</pallas_src>

<mosaic_0001>
#map = affine_map<(d0, d1) -> (0, 0)>
module attributes {stable_mosaic.version = 14 : i64} {
  func.func @_pool_body(%arg0: i32, %arg1: i32, %arg2: memref<4096x200xi32, #tpu.memory_space<hbm>>, %arg3: memref<1003520x64xf32, #tpu.memory_space<hbm>>, %arg4: memref<4096x64xf32, #tpu.memory_space<hbm>>, %arg5: memref<400xi32, #tpu.memory_space<vmem>>, %arg6: memref<400x64xf32, #tpu.memory_space<vmem>>, %arg7: memref<64xf32, #tpu.memory_space<vmem>>, %arg8: memref<!tpu.dma_semaphore, #tpu.memory_space<semaphore_mem>>, %arg9: memref<!tpu.dma_semaphore, #tpu.memory_space<semaphore_mem>>, %arg10: memref<!tpu.dma_semaphore, #tpu.memory_space<semaphore_mem>>, %arg11: memref<!tpu.dma_semaphore, #tpu.memory_space<semaphore_mem>>) attributes {dimension_semantics = [#tpu.dimension_semantics<core_parallel>, #tpu.dimension_semantics<subcore_parallel>], iteration_bounds = array<i64: 2, 16>, scalar_prefetch = 0 : i64, scratch_operands = 7 : i64, tpu.core_type = #tpu.core_type<sc_vector_subcore>, window_params = [{transform_indices = #map}, {transform_indices = #map}, {transform_indices = #map}]} {
    %mul3A = arith.constant 2 : i32
    %mul3A_0 = arith.muli %arg1, %mul3A : i32
    %add3A = arith.addi %mul3A_0, %arg0 : i32
    %mul3A_1 = arith.constant 128 : i32
    %mul3A_2 = arith.muli %add3A, %mul3A_1 : i32
    %dma_start3A = arith.constant 0 : i32
    %dma_start3A_3 = tpu.memref_slice %arg5[%dma_start3A] : memref<400xi32, #tpu.memory_space<vmem>> -> memref<200xi32, #tpu.memory_space<vmem>>
    %dma_start3A_4 = arith.constant 0 : i32
    %dma_start3A_5 = tpu.memref_slice %arg2[%mul3A_2, %dma_start3A_4] : memref<4096x200xi32, #tpu.memory_space<hbm>> -> memref<1x200xi32, #tpu.memory_space<hbm>>
    %dma_start3A_6 = tpu.memref_squeeze %dma_start3A_5 : memref<1x200xi32, #tpu.memory_space<hbm>> -> memref<200xi32, #tpu.memory_space<hbm>>
    %dma_start3A_7 = arith.constant 0 : i32
    %dma_start3A_8 = tpu.memref_slice %arg5[%dma_start3A_7] : memref<400xi32, #tpu.memory_space<vmem>> -> memref<200xi32, #tpu.memory_space<vmem>>
    %dma_start3A_9 = arith.constant 0 : i32
    %dma_start3A_10 = tpu.memref_slice %arg2[%mul3A_2, %dma_start3A_9] : memref<4096x200xi32, #tpu.memory_space<hbm>> -> memref<1x200xi32, #tpu.memory_space<hbm>>
    %dma_start3A_11 = tpu.memref_squeeze %dma_start3A_10 : memref<1x200xi32, #tpu.memory_space<hbm>> -> memref<200xi32, #tpu.memory_space<hbm>>
    tpu.enqueue_dma source(%dma_start3A_11 : memref<200xi32, #tpu.memory_space<hbm>>) target(%dma_start3A_8 : memref<200xi32, #tpu.memory_space<vmem>>) target_semaphore(%arg8 : memref<!tpu.dma_semaphore, #tpu.memory_space<semaphore_mem>>)
    %add3A_12 = arith.constant 1 : i32
    %add3A_13 = arith.addi %mul3A_2, %add3A_12 : i32
    %dma_start3A_14 = arith.constant 200 : i32
    %dma_start3A_15 = tpu.memref_slice %arg5[%dma_start3A_14] : memref<400xi32, #tpu.memory_space<vmem>> -> memref<200xi32, #tpu.memory_space<vmem>>
    %dma_start3A_16 = arith.constant 0 : i32
    %dma_start3A_17 = tpu.memref_slice %arg2[%add3A_13, %dma_start3A_16] : memref<4096x200xi32, #tpu.memory_space<hbm>> -> memref<1x200xi32, #tpu.memory_space<hbm>>
    %dma_start3A_18 = tpu.memref_squeeze %dma_start3A_17 : memref<1x200xi32, #tpu.memory_space<hbm>> -> memref<200xi32, #tpu.memory_space<hbm>>
    %dma_start3A_19 = arith.constant 200 : i32
    %dma_start3A_20 = tpu.memref_slice %arg5[%dma_start3A_19] : memref<400xi32, #tpu.memory_space<vmem>> -> memref<200xi32, #tpu.memory_space<vmem>>
    %dma_start3A_21 = arith.constant 0 : i32
    %dma_start3A_22 = tpu.memref_slice %arg2[%add3A_13, %dma_start3A_21] : memref<4096x200xi32, #tpu.memory_space<hbm>> -> memref<1x200xi32, #tpu.memory_space<hbm>>
    %dma_start3A_23 = tpu.memref_squeeze %dma_start3A_22 : memref<1x200xi32, #tpu.memory_space<hbm>> -> memref<200xi32, #tpu.memory_space<hbm>>
    tpu.enqueue_dma source(%dma_start3A_23 : memref<200xi32, #tpu.memory_space<hbm>>) target(%dma_start3A_20 : memref<200xi32, #tpu.memory_space<vmem>>) target_semaphore(%arg9 : memref<!tpu.dma_semaphore, #tpu.memory_space<semaphore_mem>>)
    %dma_wait3A = arith.constant 0 : i32
    %dma_wait3A_24 = arith.constant 0 : i32
    %dma_wait3A_25 = tpu.memref_slice %arg5[%dma_wait3A_24] : memref<400xi32, #tpu.memory_space<vmem>> -> memref<200xi32, #tpu.memory_space<vmem>>
    %dma_wait3A_26 = arith.constant 0 : i32
    %dma_wait3A_27 = tpu.memref_slice %arg2[%dma_wait3A, %dma_wait3A_26] : memref<4096x200xi32, #tpu.memory_space<hbm>> -> memref<1x200xi32, #tpu.memory_space<hbm>>
    %dma_wait3A_28 = tpu.memref_squeeze %dma_wait3A_27 : memref<1x200xi32, #tpu.memory_space<hbm>> -> memref<200xi32, #tpu.memory_space<hbm>>
    %dma_wait3A_29 = arith.constant 0 : i32
    %dma_wait3A_30 = tpu.memref_slice %arg5[%dma_wait3A_29] : memref<400xi32, #tpu.memory_space<vmem>> -> memref<200xi32, #tpu.memory_space<vmem>>
    %dma_wait3A_31 = arith.constant 0 : i32
    %dma_wait3A_32 = tpu.memref_slice %arg2[%dma_wait3A, %dma_wait3A_31] : memref<4096x200xi32, #tpu.memory_space<hbm>> -> memref<1x200xi32, #tpu.memory_space<hbm>>
    %dma_wait3A_33 = tpu.memref_squeeze %dma_wait3A_32 : memref<1x200xi32, #tpu.memory_space<hbm>> -> memref<200xi32, #tpu.memory_space<hbm>>
    tpu.wait_dma2 semaphore(%arg8 : memref<!tpu.dma_semaphore, #tpu.memory_space<semaphore_mem>>) src(%dma_wait3A_33 : memref<200xi32, #tpu.memory_space<hbm>>) dst(%dma_wait3A_30 : memref<200xi32, #tpu.memory_space<vmem>>)
    %dma_start3A_34 = arith.constant 0 : i32
    %dma_start3A_35 = arith.constant 0 : i32
    %dma_start3A_36 = tpu.memref_slice %arg6[%dma_start3A_34, %dma_start3A_35] : memref<400x64xf32, #tpu.memory_space<vmem>> -> memref<104x64xf32, #tpu.memory_space<vmem>>
    %dma_start3A_37 = arith.constant 0 : i32
    %dma_start3A_38 = tpu.memref_slice %arg5[%dma_start3A_37] : memref<400xi32, #tpu.memory_space<vmem>> -> memref<104xi32, #tpu.memory_space<vmem>>
    %dma_start3A_39 = arith.constant 0 : i32
    %dma_start3A_40 = arith.constant 0 : i32
    %dma_start3A_41 = tpu.memref_slice %arg3[%dma_start3A_39, %dma_start3A_40] : memref<1003520x64xf32, #tpu.memory_space<hbm>> -> memref<1003520x64xf32, #tpu.memory_space<hbm>>
    tpu.enqueue_indirect_dma source(%dma_start3A_41 : memref<1003520x64xf32, #tpu.memory_space<hbm>>) target(%dma_start3A_36 : memref<104x64xf32, #tpu.memory_space<vmem>>) offsets(%dma_start3A_38 : memref<104xi32, #tpu.memory_space<vmem>>) semaphore(%arg10 : memref<!tpu.dma_semaphore, #tpu.memory_space<semaphore_mem>>)
    %dma_start3A_42 = arith.constant 104 : i32
    %dma_start3A_43 = arith.constant 0 : i32
    %dma_start3A_44 = tpu.memref_slice %arg6[%dma_start3A_42, %dma_start3A_43] : memref<400x64xf32, #tpu.memory_space<vmem>> -> memref<96x64xf32, #tpu.memory_space<vmem>>
    %dma_start3A_45 = arith.constant 104 : i32
    %dma_start3A_46 = tpu.memref_slice %arg5[%dma_start3A_45] : memref<400xi32, #tpu.memory_space<vmem>> -> memref<96xi32, #tpu.memory_space<vmem>>
    %dma_start3A_47 = arith.constant 0 : i32
    %dma_start3A_48 = arith.constant 0 : i32
    %dma_start3A_49 = tpu.memref_slice %arg3[%dma_start3A_47, %dma_start3A_48] : memref<1003520x64xf32, #tpu.memory_space<hbm>> -> memref<1003520x64xf32, #tpu.memory_space<hbm>>
    tpu.enqueue_indirect_dma source(%dma_start3A_49 : memref<1003520x64xf32, #tpu.memory_space<hbm>>) target(%dma_start3A_44 : memref<96x64xf32, #tpu.memory_space<vmem>>) offsets(%dma_start3A_46 : memref<96xi32, #tpu.memory_space<vmem>>) semaphore(%arg10 : memref<!tpu.dma_semaphore, #tpu.memory_space<semaphore_mem>>)
    %scan3A = arith.constant 0 : i32
    %scan3A_50 = arith.constant 64 : i32
    %scan3A_51 = arith.addi %scan3A, %scan3A_50 : i32
    %scan3A_52 = arith.constant 1 : i32
    scf.for %scan3A_89 = %scan3A to %scan3A_51 step %scan3A_52  : i32 {
      %mul3A_90 = arith.constant 2 : i32
      %mul3A_91 = arith.muli %mul3A_90, %scan3A_89 : i32
      %dma_wait3A_92 = arith.constant 0 : i32
      %dma_wait3A_93 = arith.constant 200 : i32
      %dma_wait3A_94 = tpu.memref_slice %arg5[%dma_wait3A_93] : memref<400xi32, #tpu.memory_space<vmem>> -> memref<200xi32, #tpu.memory_space<vmem>>
      %dma_wait3A_95 = arith.constant 0 : i32
      %dma_wait3A_96 = tpu.memref_slice %arg2[%dma_wait3A_92, %dma_wait3A_95] : memref<4096x200xi32, #tpu.memory_space<hbm>> -> memref<1x200xi32, #tpu.memory_space<hbm>>
      %dma_wait3A_97 = tpu.memref_squeeze %dma_wait3A_96 : memref<1x200xi32, #tpu.memory_space<hbm>> -> memref<200xi32, #tpu.memory_space<hbm>>
      %dma_wait3A_98 = arith.constant 200 : i32
      %dma_wait3A_99 = tpu.memref_slice %arg5[%dma_wait3A_98] : memref<400xi32, #tpu.memory_space<vmem>> -> memref<200xi32, #tpu.memory_space<vmem>>
      %dma_wait3A_100 = arith.constant 0 : i32
      %dma_wait3A_101 = tpu.memref_slice %arg2[%dma_wait3A_92, %dma_wait3A_100] : memref<4096x200xi32, #tpu.memory_space<hbm>> -> memref<1x200xi32, #tpu.memory_space<hbm>>
      %dma_wait3A_102 = tpu.memref_squeeze %dma_wait3A_101 : memref<1x200xi32, #tpu.memory_space<hbm>> -> memref<200xi32, #tpu.memory_space<hbm>>
      tpu.wait_dma2 semaphore(%arg9 : memref<!tpu.dma_semaphore, #tpu.memory_space<semaphore_mem>>) src(%dma_wait3A_102 : memref<200xi32, #tpu.memory_space<hbm>>) dst(%dma_wait3A_99 : memref<200xi32, #tpu.memory_space<vmem>>)
      %dma_start3A_103 = arith.constant 200 : i32
      %dma_start3A_104 = arith.constant 0 : i32
      %dma_start3A_105 = tpu.memref_slice %arg6[%dma_start3A_103, %dma_start3A_104] : memref<400x64xf32, #tpu.memory_space<vmem>> -> memref<104x64xf32, #tpu.memory_space<vmem>>
      %dma_start3A_106 = arith.constant 200 : i32
      %dma_start3A_107 = tpu.memref_slice %arg5[%dma_start3A_106] : memref<400xi32, #tpu.memory_space<vmem>> -> memref<104xi32, #tpu.memory_space<vmem>>
      %dma_start3A_108 = arith.constant 0 : i32
      %dma_start3A_109 = arith.constant 0 : i32
      %dma_start3A_110 = tpu.memref_slice %arg3[%dma_start3A_108, %dma_start3A_109] : memref<1003520x64xf32, #tpu.memory_space<hbm>> -> memref<1003520x64xf32, #tpu.memory_space<hbm>>
      tpu.enqueue_indirect_dma source(%dma_start3A_110 : memref<1003520x64xf32, #tpu.memory_space<hbm>>) target(%dma_start3A_105 : memref<104x64xf32, #tpu.memory_space<vmem>>) offsets(%dma_start3A_107 : memref<104xi32, #tpu.memory_space<vmem>>) semaphore(%arg11 : memref<!tpu.dma_semaphore, #tpu.memory_space<semaphore_mem>>)
      %dma_start3A_111 = arith.constant 304 : i32
      %dma_start3A_112 = arith.constant 0 : i32
      %dma_start3A_113 = tpu.memref_slice %arg6[%dma_start3A_111, %dma_start3A_112] : memref<400x64xf32, #tpu.memory_space<vmem>> -> memref<96x64xf32, #tpu.memory_space<vmem>>
      %dma_start3A_114 = arith.constant 304 : i32
      %dma_start3A_115 = tpu.memref_slice %arg5[%dma_start3A_114] : memref<400xi32, #tpu.memory_space<vmem>> -> memref<96xi32, #tpu.memory_space<vmem>>
      %dma_start3A_116 = arith.constant 0 : i32
      %dma_start3A_117 = arith.constant 0 : i32
      %dma_start3A_118 = tpu.memref_slice %arg3[%dma_start3A_116, %dma_start3A_117] : memref<1003520x64xf32, #tpu.memory_space<hbm>> -> memref<1003520x64xf32, #tpu.memory_space<hbm>>
      tpu.enqueue_indirect_dma source(%dma_start3A_118 : memref<1003520x64xf32, #tpu.memory_space<hbm>>) target(%dma_start3A_113 : memref<96x64xf32, #tpu.memory_space<vmem>>) offsets(%dma_start3A_115 : memref<96xi32, #tpu.memory_space<vmem>>) semaphore(%arg11 : memref<!tpu.dma_semaphore, #tpu.memory_space<semaphore_mem>>)
      %dma_wait3A_119 = arith.constant 0 : i32
      %dma_wait3A_120 = arith.constant 0 : i32
      %dma_wait3A_121 = tpu.memref_slice %arg6[%dma_wait3A_119, %dma_wait3A_120] : memref<400x64xf32, #tpu.memory_space<vmem>> -> memref<104x64xf32, #tpu.memory_space<vmem>>
      %dma_wait3A_122 = arith.constant 0 : i32
      %dma_wait3A_123 = arith.constant 0 : i32
      %dma_wait3A_124 = tpu.memref_slice %arg3[%dma_wait3A_122, %dma_wait3A_123] : memref<1003520x64xf32, #tpu.memory_space<hbm>> -> memref<104x64xf32, #tpu.memory_space<hbm>>
      %dma_wait3A_125 = arith.constant 0 : i32
      %dma_wait3A_126 = arith.constant 0 : i32
      %dma_wait3A_127 = tpu.memref_slice %arg6[%dma_wait3A_125, %dma_wait3A_126] : memref<400x64xf32, #tpu.memory_space<vmem>> -> memref<104x64xf32, #tpu.memory_space<vmem>>
      %dma_wait3A_128 = arith.constant 0 : i32
      %dma_wait3A_129 = arith.constant 0 : i32
      %dma_wait3A_130 = tpu.memref_slice %arg3[%dma_wait3A_128, %dma_wait3A_129] : memref<1003520x64xf32, #tpu.memory_space<hbm>> -> memref<104x64xf32, #tpu.memory_space<hbm>>
      tpu.wait_dma2 semaphore(%arg10 : memref<!tpu.dma_semaphore, #tpu.memory_space<semaphore_mem>>) src(%dma_wait3A_130 : memref<104x64xf32, #tpu.memory_space<hbm>>) dst(%dma_wait3A_127 : memref<104x64xf32, #tpu.memory_space<vmem>>)
      %dma_wait3A_131 = arith.constant 104 : i32
      %dma_wait3A_132 = arith.constant 0 : i32
      %dma_wait3A_133 = tpu.memref_slice %arg6[%dma_wait3A_131, %dma_wait3A_132] : memref<400x64xf32, #tpu.memory_space<vmem>> -> memref<96x64xf32, #tpu.memory_space<vmem>>
      %dma_wait3A_134 = arith.constant 0 : i32
      %dma_wait3A_135 = arith.constant 0 : i32
      %dma_wait3A_136 = tpu.memref_slice %arg3[%dma_wait3A_134, %dma_wait3A_135] : memref<1003520x64xf32, #tpu.memory_space<hbm>> -> memref<96x64xf32, #tpu.memory_space<hbm>>
      %dma_wait3A_137 = arith.constant 104 : i32
      %dma_wait3A_138 = arith.constant 0 : i32
      %dma_wait3A_139 = tpu.memref_slice %arg6[%dma_wait3A_137, %dma_wait3A_138] : memref<400x64xf32, #tpu.memory_space<vmem>> -> memref<96x64xf32, #tpu.memory_space<vmem>>
      %dma_wait3A_140 = arith.constant 0 : i32
      %dma_wait3A_141 = arith.constant 0 : i32
      %dma_wait3A_142 = tpu.memref_slice %arg3[%dma_wait3A_140, %dma_wait3A_141] : memref<1003520x64xf32, #tpu.memory_space<hbm>> -> memref<96x64xf32, #tpu.memory_space<hbm>>
      tpu.wait_dma2 semaphore(%arg10 : memref<!tpu.dma_semaphore, #tpu.memory_space<semaphore_mem>>) src(%dma_wait3A_142 : memref<96x64xf32, #tpu.memory_space<hbm>>) dst(%dma_wait3A_139 : memref<96x64xf32, #tpu.memory_space<vmem>>)
      %add3A_143 = arith.constant 2 : i32
      %add3A_144 = arith.addi %mul3A_91, %add3A_143 : i32
      %min3A = arith.constant 127 : i32
      %min3A_145 = arith.minsi %add3A_144, %min3A : i32
      %add3A_146 = arith.addi %mul3A_2, %min3A_145 : i32
      %dma_start3A_147 = arith.constant 0 : i32
      %dma_start3A_148 = tpu.memref_slice %arg5[%dma_start3A_147] : memref<400xi32, #tpu.memory_space<vmem>> -> memref<200xi32, #tpu.memory_space<vmem>>
      %dma_start3A_149 = arith.constant 0 : i32
      %dma_start3A_150 = tpu.memref_slice %arg2[%add3A_146, %dma_start3A_149] : memref<4096x200xi32, #tpu.memory_space<hbm>> -> memref<1x200xi32, #tpu.memory_space<hbm>>
      %dma_start3A_151 = tpu.memref_squeeze %dma_start3A_150 : memref<1x200xi32, #tpu.memory_space<hbm>> -> memref<200xi32, #tpu.memory_space<hbm>>
      %dma_start3A_152 = arith.constant 0 : i32
      %dma_start3A_153 = tpu.memref_slice %arg5[%dma_start3A_152] : memref<400xi32, #tpu.memory_space<vmem>> -> memref<200xi32, #tpu.memory_space<vmem>>
      %dma_start3A_154 = arith.constant 0 : i32
      %dma_start3A_155 = tpu.memref_slice %arg2[%add3A_146, %dma_start3A_154] : memref<4096x200xi32, #tpu.memory_space<hbm>> -> memref<1x200xi32, #tpu.memory_space<hbm>>
      %dma_start3A_156 = tpu.memref_squeeze %dma_start3A_155 : memref<1x200xi32, #tpu.memory_space<hbm>> -> memref<200xi32, #tpu.memory_space<hbm>>
      tpu.enqueue_dma source(%dma_start3A_156 : memref<200xi32, #tpu.memory_space<hbm>>) target(%dma_start3A_153 : memref<200xi32, #tpu.memory_space<vmem>>) target_semaphore(%arg8 : memref<!tpu.dma_semaphore, #tpu.memory_space<semaphore_mem>>)
      %broadcast_in_dim3A = arith.constant 0.000000e+00 : f32
      %broadcast_in_dim3A_157 = vector.broadcast %broadcast_in_dim3A : f32 to vector<16xf32>
      %scan3A_158 = arith.constant 0 : i32
      %scan3A_159 = arith.constant 200 : i32
      %scan3A_160 = arith.addi %scan3A_158, %scan3A_159 : i32
      %scan3A_161 = arith.constant 2 : i32
      %scan3A_162:4 = scf.for %scan3A_297 = %scan3A_158 to %scan3A_160 step %scan3A_161 iter_args(%scan3A_298 = %broadcast_in_dim3A_157, %scan3A_299 = %broadcast_in_dim3A_157, %scan3A_300 = %broadcast_in_dim3A_157, %scan3A_301 = %broadcast_in_dim3A_157) -> (vector<16xf32>, vector<16xf32>, vector<16xf32>, vector<16xf32>)  : i32 {
        %add3A_302 = arith.constant 0 : i32
        %add3A_303 = arith.addi %add3A_302, %scan3A_297 : i32
        %get3A = arith.index_cast %add3A_303 : i32 to index
        %get3A_304 = arith.constant 0 : index
        %get3A_305 = tpu.vector_load %arg6[%get3A, %get3A_304] {strides = array<i32>} : memref<400x64xf32, #tpu.memory_space<vmem>>, vector<1x16xf32>,
        %get3A_306 = vector.shape_cast %get3A_305 : vector<1x16xf32> to vector<16xf32>
        %add3A_307 = arith.addf %scan3A_298, %get3A_306 : vector<16xf32>
        %add3A_308 = arith.constant 0 : i32
        %add3A_309 = arith.addi %add3A_308, %scan3A_297 : i32
        %get3A_310 = arith.index_cast %add3A_309 : i32 to index
        %get3A_311 = arith.constant 16 : index
        %get3A_312 = tpu.vector_load %arg6[%get3A_310, %get3A_311] {strides = array<i32>} : memref<400x64xf32, #tpu.memory_space<vmem>>, vector<1x16xf32>,
        %get3A_313 = vector.shape_cast %get3A_312 : vector<1x16xf32> to vector<16xf32>
        %add3A_314 = arith.addf %scan3A_299, %get3A_313 : vector<16xf32>
        %add3A_315 = arith.constant 0 : i32
        %add3A_316 = arith.addi %add3A_315, %scan3A_297 : i32
        %get3A_317 = arith.index_cast %add3A_316 : i32 to index
        %get3A_318 = arith.constant 32 : index
        %get3A_319 = tpu.vector_load %arg6[%get3A_317, %get3A_318] {strides = array<i32>} : memref<400x64xf32, #tpu.memory_space<vmem>>, vector<1x16xf32>,
        %get3A_320 = vector.shape_cast %get3A_319 : vector<1x16xf32> to vector<16xf32>
        %add3A_321 = arith.addf %scan3A_300, %get3A_320 : vector<16xf32>
        %add3A_322 = arith.constant 0 : i32
        %add3A_323 = arith.addi %add3A_322, %scan3A_297 : i32
        %get3A_324 = arith.index_cast %add3A_323 : i32 to index
        %get3A_325 = arith.constant 48 : index
        %get3A_326 = tpu.vector_load %arg6[%get3A_324, %get3A_325] {strides = array<i32>} : memref<400x64xf32, #tpu.memory_space<vmem>>, vector<1x16xf32>,
        %get3A_327 = vector.shape_cast %get3A_326 : vector<1x16xf32> to vector<16xf32>
        %add3A_328 = arith.addf %scan3A_301, %get3A_327 : vector<16xf32>
        %scan3A_329 = arith.constant 1 : i32
        %scan3A_330 = arith.addi %scan3A_297, %scan3A_329 : i32
        %add3A_331 = arith.constant 0 : i32
        %add3A_332 = arith.addi %add3A_331, %scan3A_330 : i32
        %get3A_333 = arith.index_cast %add3A_332 : i32 to index
        %get3A_334 = arith.constant 0 : index
        %get3A_335 = tpu.vector_load %arg6[%get3A_333, %get3A_334] {strides = array<i32>} : memref<400x64xf32, #tpu.memory_space<vmem>>, vector<1x16xf32>,
        %get3A_336 = vector.shape_cast %get3A_335 : vector<1x16xf32> to vector<16xf32>
        %add3A_337 = arith.addf %add3A_307, %get3A_336 : vector<16xf32>
        %add3A_338 = arith.constant 0 : i32
        %add3A_339 = arith.addi %add3A_338, %scan3A_330 : i32
        %get3A_340 = arith.index_cast %add3A_339 : i32 to index
        %get3A_341 = arith.constant 16 : index
        %get3A_342 = tpu.vector_load %arg6[%get3A_340, %get3A_341] {strides = array<i32>} : memref<400x64xf32, #tpu.memory_space<vmem>>, vector<1x16xf32>,
        %get3A_343 = vector.shape_cast %get3A_342 : vector<1x16xf32> to vector<16xf32>
        %add3A_344 = arith.addf %add3A_314, %get3A_343 : vector<16xf32>
        %add3A_345 = arith.constant 0 : i32
        %add3A_346 = arith.addi %add3A_345, %scan3A_330 : i32
        %get3A_347 = arith.index_cast %add3A_346 : i32 to index
        %get3A_348 = arith.constant 32 : index
        %get3A_349 = tpu.vector_load %arg6[%get3A_347, %get3A_348] {strides = array<i32>} : memref<400x64xf32, #tpu.memory_space<vmem>>, vector<1x16xf32>,
        %get3A_350 = vector.shape_cast %get3A_349 : vector<1x16xf32> to vector<16xf32>
        %add3A_351 = arith.addf %add3A_321, %get3A_350 : vector<16xf32>
        %add3A_352 = arith.constant 0 : i32
        %add3A_353 = arith.addi %add3A_352, %scan3A_330 : i32
        %get3A_354 = arith.index_cast %add3A_353 : i32 to index
        %get3A_355 = arith.constant 48 : index
        %get3A_356 = tpu.vector_load %arg6[%get3A_354, %get3A_355] {strides = array<i32>} : memref<400x64xf32, #tpu.memory_space<vmem>>, vector<1x16xf32>,
        %get3A_357 = vector.shape_cast %get3A_356 : vector<1x16xf32> to vector<16xf32>
        %add3A_358 = arith.addf %add3A_328, %get3A_357 : vector<16xf32>
        scf.yield %add3A_337, %add3A_344, %add3A_351, %add3A_358 : vector<16xf32>, vector<16xf32>, vector<16xf32>, vector<16xf32>
      }
      %scan3A_163 = arith.constant 200 : i32
      %mul3A_164 = arith.constant 5.000000e-03 : f32
      %mul3A_165 = vector.broadcast %mul3A_164 : f32 to vector<16xf32>
      %mul3A_166 = arith.mulf %scan3A_162#0, %mul3A_165 : vector<16xf32>
      %swap3A = arith.constant 0 : index
      %swap3A_167 = tpu.vector_load %arg7[%swap3A] {strides = array<i32>} : memref<64xf32, #tpu.memory_space<vmem>>, vector<16xf32>,
      %swap3A_168 = vector.shape_cast %swap3A_167 : vector<16xf32> to vector<16xf32>
      %swap3A_169 = vector.shape_cast %mul3A_166 : vector<16xf32> to vector<16xf32>
      tpu.vector_store %arg7[%swap3A], %swap3A_169 {strides = array<i32>} : memref<64xf32, #tpu.memory_space<vmem>>, vector<16xf32>,
      %mul3A_170 = arith.constant 5.000000e-03 : f32
      %mul3A_171 = vector.broadcast %mul3A_170 : f32 to vector<16xf32>
      %mul3A_172 = arith.mulf %scan3A_162#1, %mul3A_171 : vector<16xf32>
      %swap3A_173 = arith.constant 16 : index
      %swap3A_174 = tpu.vector_load %arg7[%swap3A_173] {strides = array<i32>} : memref<64xf32, #tpu.memory_space<vmem>>, vector<16xf32>,
      %swap3A_175 = vector.shape_cast %swap3A_174 : vector<16xf32> to vector<16xf32>
      %swap3A_176 = vector.shape_cast %mul3A_172 : vector<16xf32> to vector<16xf32>
      tpu.vector_store %arg7[%swap3A_173], %swap3A_176 {strides = array<i32>} : memref<64xf32, #tpu.memory_space<vmem>>, vector<16xf32>,
      %mul3A_177 = arith.constant 5.000000e-03 : f32
      %mul3A_178 = vector.broadcast %mul3A_177 : f32 to vector<16xf32>
      %mul3A_179 = arith.mulf %scan3A_162#2, %mul3A_178 : vector<16xf32>
      %swap3A_180 = arith.constant 32 : index
      %swap3A_181 = tpu.vector_load %arg7[%swap3A_180] {strides = array<i32>} : memref<64xf32, #tpu.memory_space<vmem>>, vector<16xf32>,
      %swap3A_182 = vector.shape_cast %swap3A_181 : vector<16xf32> to vector<16xf32>
      %swap3A_183 = vector.shape_cast %mul3A_179 : vector<16xf32> to vector<16xf32>
      tpu.vector_store %arg7[%swap3A_180], %swap3A_183 {strides = array<i32>} : memref<64xf32, #tpu.memory_space<vmem>>, vector<16xf32>,
      %mul3A_184 = arith.constant 5.000000e-03 : f32
      %mul3A_185 = vector.broadcast %mul3A_184 : f32 to vector<16xf32>
      %mul3A_186 = arith.mulf %scan3A_162#3, %mul3A_185 : vector<16xf32>
      %swap3A_187 = arith.constant 48 : index
      %swap3A_188 = tpu.vector_load %arg7[%swap3A_187] {strides = array<i32>} : memref<64xf32, #tpu.memory_space<vmem>>, vector<16xf32>,
      %swap3A_189 = vector.shape_cast %swap3A_188 : vector<16xf32> to vector<16xf32>
      %swap3A_190 = vector.shape_cast %mul3A_186 : vector<16xf32> to vector<16xf32>
      tpu.vector_store %arg7[%swap3A_187], %swap3A_190 {strides = array<i32>} : memref<64xf32, #tpu.memory_space<vmem>>, vector<16xf32>,
      %add3A_191 = arith.addi %mul3A_2, %mul3A_91 : i32
      "tpu.region"() ({
        %run_scoped3A = tpu.sem_alloc : memref<!tpu.dma_semaphore, #tpu.memory_space<semaphore_mem>>
        %dma_start3A_297 = arith.constant 0 : i32
        %dma_start3A_298 = tpu.memref_slice %arg4[%add3A_191, %dma_start3A_297] : memref<4096x64xf32, #tpu.memory_space<hbm>> -> memref<1x64xf32, #tpu.memory_space<hbm>>
        %dma_start3A_299 = tpu.memref_squeeze %dma_start3A_298 : memref<1x64xf32, #tpu.memory_space<hbm>> -> memref<64xf32, #tpu.memory_space<hbm>>
        %dma_start3A_300 = arith.constant 0 : i32
        %dma_start3A_301 = tpu.memref_slice %arg4[%add3A_191, %dma_start3A_300] : memref<4096x64xf32, #tpu.memory_space<hbm>> -> memref<1x64xf32, #tpu.memory_space<hbm>>
        %dma_start3A_302 = tpu.memref_squeeze %dma_start3A_301 : memref<1x64xf32, #tpu.memory_space<hbm>> -> memref<64xf32, #tpu.memory_space<hbm>>
        tpu.enqueue_dma source(%arg7 : memref<64xf32, #tpu.memory_space<vmem>>) target(%dma_start3A_302 : memref<64xf32, #tpu.memory_space<hbm>>) target_semaphore(%run_scoped3A : memref<!tpu.dma_semaphore, #tpu.memory_space<semaphore_mem>>)
        %dma_wait3A_303 = arith.constant 0 : i32
        %dma_wait3A_304 = tpu.memref_slice %arg4[%add3A_191, %dma_wait3A_303] : memref<4096x64xf32, #tpu.memory_space<hbm>> -> memref<1x64xf32, #tpu.memory_space<hbm>>
        %dma_wait3A_305 = tpu.memref_squeeze %dma_wait3A_304 : memref<1x64xf32, #tpu.memory_space<hbm>> -> memref<64xf32, #tpu.memory_space<hbm>>
        %dma_wait3A_306 = arith.constant 0 : i32
        %dma_wait3A_307 = tpu.memref_slice %arg4[%add3A_191, %dma_wait3A_306] : memref<4096x64xf32, #tpu.memory_space<hbm>> -> memref<1x64xf32, #tpu.memory_space<hbm>>
        %dma_wait3A_308 = tpu.memref_squeeze %dma_wait3A_307 : memref<1x64xf32, #tpu.memory_space<hbm>> -> memref<64xf32, #tpu.memory_space<hbm>>
        tpu.wait_dma2 semaphore(%run_scoped3A : memref<!tpu.dma_semaphore, #tpu.memory_space<semaphore_mem>>) src(%arg7 : memref<64xf32, #tpu.memory_space<vmem>>) dst(%dma_wait3A_308 : memref<64xf32, #tpu.memory_space<hbm>>)
        tpu.yield
      }) : () -> ()
      %dma_wait3A_192 = arith.constant 0 : i32
      %dma_wait3A_193 = arith.constant 0 : i32
      %dma_wait3A_194 = tpu.memref_slice %arg5[%dma_wait3A_193] : memref<400xi32, #tpu.memory_space<vmem>> -> memref<200xi32, #tpu.memory_space<vmem>>
      %dma_wait3A_195 = arith.constant 0 : i32
      %dma_wait3A_196 = tpu.memref_slice %arg2[%dma_wait3A_192, %dma_wait3A_195] : memref<4096x200xi32, #tpu.memory_space<hbm>> -> memref<1x200xi32, #tpu.memory_space<hbm>>
      %dma_wait3A_197 = tpu.memref_squeeze %dma_wait3A_196 : memref<1x200xi32, #tpu.memory_space<hbm>> -> memref<200xi32, #tpu.memory_space<hbm>>
      %dma_wait3A_198 = arith.constant 0 : i32
      %dma_wait3A_199 = tpu.memref_slice %arg5[%dma_wait3A_198] : memref<400xi32, #tpu.memory_space<vmem>> -> memref<200xi32, #tpu.memory_space<vmem>>
      %dma_wait3A_200 = arith.constant 0 : i32
      %dma_wait3A_201 = tpu.memref_slice %arg2[%dma_wait3A_192, %dma_wait3A_200] : memref<4096x200xi32, #tpu.memory_space<hbm>> -> memref<1x200xi32, #tpu.memory_space<hbm>>
      %dma_wait3A_202 = tpu.memref_squeeze %dma_wait3A_201 : memref<1x200xi32, #tpu.memory_space<hbm>> -> memref<200xi32, #tpu.memory_space<hbm>>
      tpu.wait_dma2 semaphore(%arg8 : memref<!tpu.dma_semaphore, #tpu.memory_space<semaphore_mem>>) src(%dma_wait3A_202 : memref<200xi32, #tpu.memory_space<hbm>>) dst(%dma_wait3A_199 : memref<200xi32, #tpu.memory_space<vmem>>)
      %dma_start3A_203 = arith.constant 0 : i32
      %dma_start3A_204 = arith.constant 0 : i32
      %dma_start3A_205 = tpu.memref_slice %arg6[%dma_start3A_203, %dma_start3A_204] : memref<400x64xf32, #tpu.memory_space<vmem>> -> memref<104x64xf32, #tpu.memory_space<vmem>>
      %dma_start3A_206 = arith.constant 0 : i32
      %dma_start3A_207 = tpu.memref_slice %arg5[%dma_start3A_206] : memref<400xi32, #tpu.memory_space<vmem>> -> memref<104xi32, #tpu.memory_space<vmem>>
      %dma_start3A_208 = arith.constant 0 : i32
      %dma_start3A_209 = arith.constant 0 : i32
      %dma_start3A_210 = tpu.memref_slice %arg3[%dma_start3A_208, %dma_start3A_209] : memref<1003520x64xf32, #tpu.memory_space<hbm>> -> memref<1003520x64xf32, #tpu.memory_space<hbm>>
      tpu.enqueue_indirect_dma source(%dma_start3A_210 : memref<1003520x64xf32, #tpu.memory_space<hbm>>) target(%dma_start3A_205 : memref<104x64xf32, #tpu.memory_space<vmem>>) offsets(%dma_start3A_207 : memref<104xi32, #tpu.memory_space<vmem>>) semaphore(%arg10 : memref<!tpu.dma_semaphore, #tpu.memory_space<semaphore_mem>>)
      %dma_start3A_211 = arith.constant 104 : i32
      %dma_start3A_212 = arith.constant 0 : i32
      %dma_start3A_213 = tpu.memref_slice %arg6[%dma_start3A_211, %dma_start3A_212] : memref<400x64xf32, #tpu.memory_space<vmem>> -> memref<96x64xf32, #tpu.memory_space<vmem>>
      %dma_start3A_214 = arith.constant 104 : i32
      %dma_start3A_215 = tpu.memref_slice %arg5[%dma_start3A_214] : memref<400xi32, #tpu.memory_space<vmem>> -> memref<96xi32, #tpu.memory_space<vmem>>
      %dma_start3A_216 = arith.constant 0 : i32
      %dma_start3A_217 = arith.constant 0 : i32
      %dma_start3A_218 = tpu.memref_slice %arg3[%dma_start3A_216, %dma_start3A_217] : memref<1003520x64xf32, #tpu.memory_space<hbm>> -> memref<1003520x64xf32, #tpu.memory_space<hbm>>
      tpu.enqueue_indirect_dma source(%dma_start3A_218 : memref<1003520x64xf32, #tpu.memory_space<hbm>>) target(%dma_start3A_213 : memref<96x64xf32, #tpu.memory_space<vmem>>) offsets(%dma_start3A_215 : memref<96xi32, #tpu.memory_space<vmem>>) semaphore(%arg10 : memref<!tpu.dma_semaphore, #tpu.memory_space<semaphore_mem>>)
      %dma_wait3A_219 = arith.constant 200 : i32
      %dma_wait3A_220 = arith.constant 0 : i32
      %dma_wait3A_221 = tpu.memref_slice %arg6[%dma_wait3A_219, %dma_wait3A_220] : memref<400x64xf32, #tpu.memory_space<vmem>> -> memref<104x64xf32, #tpu.memory_space<vmem>>
      %dma_wait3A_222 = arith.constant 0 : i32
      %dma_wait3A_223 = arith.constant 0 : i32
      %dma_wait3A_224 = tpu.memref_slice %arg3[%dma_wait3A_222, %dma_wait3A_223] : memref<1003520x64xf32, #tpu.memory_space<hbm>> -> memref<104x64xf32, #tpu.memory_space<hbm>>
      %dma_wait3A_225 = arith.constant 200 : i32
      %dma_wait3A_226 = arith.constant 0 : i32
      %dma_wait3A_227 = tpu.memref_slice %arg6[%dma_wait3A_225, %dma_wait3A_226] : memref<400x64xf32, #tpu.memory_space<vmem>> -> memref<104x64xf32, #tpu.memory_space<vmem>>
      %dma_wait3A_228 = arith.constant 0 : i32
      %dma_wait3A_229 = arith.constant 0 : i32
      %dma_wait3A_230 = tpu.memref_slice %arg3[%dma_wait3A_228, %dma_wait3A_229] : memref<1003520x64xf32, #tpu.memory_space<hbm>> -> memref<104x64xf32, #tpu.memory_space<hbm>>
      tpu.wait_dma2 semaphore(%arg11 : memref<!tpu.dma_semaphore, #tpu.memory_space<semaphore_mem>>) src(%dma_wait3A_230 : memref<104x64xf32, #tpu.memory_space<hbm>>) dst(%dma_wait3A_227 : memref<104x64xf32, #tpu.memory_space<vmem>>)
      %dma_wait3A_231 = arith.constant 304 : i32
      %dma_wait3A_232 = arith.constant 0 : i32
      %dma_wait3A_233 = tpu.memref_slice %arg6[%dma_wait3A_231, %dma_wait3A_232] : memref<400x64xf32, #tpu.memory_space<vmem>> -> memref<96x64xf32, #tpu.memory_space<vmem>>
      %dma_wait3A_234 = arith.constant 0 : i32
      %dma_wait3A_235 = arith.constant 0 : i32
      %dma_wait3A_236 = tpu.memref_slice %arg3[%dma_wait3A_234, %dma_wait3A_235] : memref<1003520x64xf32, #tpu.memory_space<hbm>> -> memref<96x64xf32, #tpu.memory_space<hbm>>
      %dma_wait3A_237 = arith.constant 304 : i32
      %dma_wait3A_238 = arith.constant 0 : i32
      %dma_wait3A_239 = tpu.memref_slice %arg6[%dma_wait3A_237, %dma_wait3A_238] : memref<400x64xf32, #tpu.memory_space<vmem>> -> memref<96x64xf32, #tpu.memory_space<vmem>>
      %dma_wait3A_240 = arith.constant 0 : i32
      %dma_wait3A_241 = arith.constant 0 : i32
      %dma_wait3A_242 = tpu.memref_slice %arg3[%dma_wait3A_240, %dma_wait3A_241] : memref<1003520x64xf32, #tpu.memory_space<hbm>> -> memref<96x64xf32, #tpu.memory_space<hbm>>
      tpu.wait_dma2 semaphore(%arg11 : memref<!tpu.dma_semaphore, #tpu.memory_space<semaphore_mem>>) src(%dma_wait3A_242 : memref<96x64xf32, #tpu.memory_space<hbm>>) dst(%dma_wait3A_239 : memref<96x64xf32, #tpu.memory_space<vmem>>)
      %add3A_243 = arith.constant 3 : i32
      %add3A_244 = arith.addi %mul3A_91, %add3A_243 : i32
      %min3A_245 = arith.constant 127 : i32
      %min3A_246 = arith.minsi %add3A_244, %min3A_245 : i32
      %add3A_247 = arith.addi %mul3A_2, %min3A_246 : i32
      %dma_start3A_248 = arith.constant 200 : i32
      %dma_start3A_249 = tpu.memref_slice %arg5[%dma_start3A_248] : memref<400xi32, #tpu.memory_space<vmem>> -> memref<200xi32, #tpu.memory_space<vmem>>
      %dma_start3A_250 = arith.constant 0 : i32
      %dma_start3A_251 = tpu.memref_slice %arg2[%add3A_247, %dma_start3A_250] : memref<4096x200xi32, #tpu.memory_space<hbm>> -> memref<1x200xi32, #tpu.memory_space<hbm>>
      %dma_start3A_252 = tpu.memref_squeeze %dma_start3A_251 : memref<1x200xi32, #tpu.memory_space<hbm>> -> memref<200xi32, #tpu.memory_space<hbm>>
      %dma_start3A_253 = arith.constant 200 : i32
      %dma_start3A_254 = tpu.memref_slice %arg5[%dma_start3A_253] : memref<400xi32, #tpu.memory_space<vmem>> -> memref<200xi32, #tpu.memory_space<vmem>>
      %dma_start3A_255 = arith.constant 0 : i32
      %dma_start3A_256 = tpu.memref_slice %arg2[%add3A_247, %dma_start3A_255] : memref<4096x200xi32, #tpu.memory_space<hbm>> -> memref<1x200xi32, #tpu.memory_space<hbm>>
      %dma_start3A_257 = tpu.memref_squeeze %dma_start3A_256 : memref<1x200xi32, #tpu.memory_space<hbm>> -> memref<200xi32, #tpu.memory_space<hbm>>
      tpu.enqueue_dma source(%dma_start3A_257 : memref<200xi32, #tpu.memory_space<hbm>>) target(%dma_start3A_254 : memref<200xi32, #tpu.memory_space<vmem>>) target_semaphore(%arg9 : memref<!tpu.dma_semaphore, #tpu.memory_space<semaphore_mem>>)
      %add3A_258 = arith.constant 1 : i32
      %add3A_259 = arith.addi %mul3A_91, %add3A_258 : i32
      %broadcast_in_dim3A_260 = arith.constant 0.000000e+00 : f32
      %broadcast_in_dim3A_261 = vector.broadcast %broadcast_in_dim3A_260 : f32 to vector<16xf32>
      %scan3A_262 = arith.constant 0 : i32
      %scan3A_263 = arith.constant 200 : i32
      %scan3A_264 = arith.addi %scan3A_262, %scan3A_263 : i32
      %scan3A_265 = arith.constant 2 : i32
      %scan3A_266:4 = scf.for %scan3A_297 = %scan3A_262 to %scan3A_264 step %scan3A_265 iter_args(%scan3A_298 = %broadcast_in_dim3A_261, %scan3A_299 = %broadcast_in_dim3A_261, %scan3A_300 = %broadcast_in_dim3A_261, %scan3A_301 = %broadcast_in_dim3A_261) -> (vector<16xf32>, vector<16xf32>, vector<16xf32>, vector<16xf32>)  : i32 {
        %add3A_302 = arith.constant 200 : i32
        %add3A_303 = arith.addi %add3A_302, %scan3A_297 : i32
        %get3A = arith.index_cast %add3A_303 : i32 to index
        %get3A_304 = arith.constant 0 : index
        %get3A_305 = tpu.vector_load %arg6[%get3A, %get3A_304] {strides = array<i32>} : memref<400x64xf32, #tpu.memory_space<vmem>>, vector<1x16xf32>,
        %get3A_306 = vector.shape_cast %get3A_305 : vector<1x16xf32> to vector<16xf32>
        %add3A_307 = arith.addf %scan3A_298, %get3A_306 : vector<16xf32>
        %add3A_308 = arith.constant 200 : i32
        %add3A_309 = arith.addi %add3A_308, %scan3A_297 : i32
        %get3A_310 = arith.index_cast %add3A_309 : i32 to index
        %get3A_311 = arith.constant 16 : index
        %get3A_312 = tpu.vector_load %arg6[%get3A_310, %get3A_311] {strides = array<i32>} : memref<400x64xf32, #tpu.memory_space<vmem>>, vector<1x16xf32>,
        %get3A_313 = vector.shape_cast %get3A_312 : vector<1x16xf32> to vector<16xf32>
        %add3A_314 = arith.addf %scan3A_299, %get3A_313 : vector<16xf32>
        %add3A_315 = arith.constant 200 : i32
        %add3A_316 = arith.addi %add3A_315, %scan3A_297 : i32
        %get3A_317 = arith.index_cast %add3A_316 : i32 to index
        %get3A_318 = arith.constant 32 : index
        %get3A_319 = tpu.vector_load %arg6[%get3A_317, %get3A_318] {strides = array<i32>} : memref<400x64xf32, #tpu.memory_space<vmem>>, vector<1x16xf32>,
        %get3A_320 = vector.shape_cast %get3A_319 : vector<1x16xf32> to vector<16xf32>
        %add3A_321 = arith.addf %scan3A_300, %get3A_320 : vector<16xf32>
        %add3A_322 = arith.constant 200 : i32
        %add3A_323 = arith.addi %add3A_322, %scan3A_297 : i32
        %get3A_324 = arith.index_cast %add3A_323 : i32 to index
        %get3A_325 = arith.constant 48 : index
        %get3A_326 = tpu.vector_load %arg6[%get3A_324, %get3A_325] {strides = array<i32>} : memref<400x64xf32, #tpu.memory_space<vmem>>, vector<1x16xf32>,
        %get3A_327 = vector.shape_cast %get3A_326 : vector<1x16xf32> to vector<16xf32>
        %add3A_328 = arith.addf %scan3A_301, %get3A_327 : vector<16xf32>
        %scan3A_329 = arith.constant 1 : i32
        %scan3A_330 = arith.addi %scan3A_297, %scan3A_329 : i32
        %add3A_331 = arith.constant 200 : i32
        %add3A_332 = arith.addi %add3A_331, %scan3A_330 : i32
        %get3A_333 = arith.index_cast %add3A_332 : i32 to index
        %get3A_334 = arith.constant 0 : index
        %get3A_335 = tpu.vector_load %arg6[%get3A_333, %get3A_334] {strides = array<i32>} : memref<400x64xf32, #tpu.memory_space<vmem>>, vector<1x16xf32>,
        %get3A_336 = vector.shape_cast %get3A_335 : vector<1x16xf32> to vector<16xf32>
        %add3A_337 = arith.addf %add3A_307, %get3A_336 : vector<16xf32>
        %add3A_338 = arith.constant 200 : i32
        %add3A_339 = arith.addi %add3A_338, %scan3A_330 : i32
        %get3A_340 = arith.index_cast %add3A_339 : i32 to index
        %get3A_341 = arith.constant 16 : index
        %get3A_342 = tpu.vector_load %arg6[%get3A_340, %get3A_341] {strides = array<i32>} : memref<400x64xf32, #tpu.memory_space<vmem>>, vector<1x16xf32>,
        %get3A_343 = vector.shape_cast %get3A_342 : vector<1x16xf32> to vector<16xf32>
        %add3A_344 = arith.addf %add3A_314, %get3A_343 : vector<16xf32>
        %add3A_345 = arith.constant 200 : i32
        %add3A_346 = arith.addi %add3A_345, %scan3A_330 : i32
        %get3A_347 = arith.index_cast %add3A_346 : i32 to index
        %get3A_348 = arith.constant 32 : index
        %get3A_349 = tpu.vector_load %arg6[%get3A_347, %get3A_348] {strides = array<i32>} : memref<400x64xf32, #tpu.memory_space<vmem>>, vector<1x16xf32>,
        %get3A_350 = vector.shape_cast %get3A_349 : vector<1x16xf32> to vector<16xf32>
        %add3A_351 = arith.addf %add3A_321, %get3A_350 : vector<16xf32>
        %add3A_352 = arith.constant 200 : i32
        %add3A_353 = arith.addi %add3A_352, %scan3A_330 : i32
        %get3A_354 = arith.index_cast %add3A_353 : i32 to index
        %get3A_355 = arith.constant 48 : index
        %get3A_356 = tpu.vector_load %arg6[%get3A_354, %get3A_355] {strides = array<i32>} : memref<400x64xf32, #tpu.memory_space<vmem>>, vector<1x16xf32>,
        %get3A_357 = vector.shape_cast %get3A_356 : vector<1x16xf32> to vector<16xf32>
        %add3A_358 = arith.addf %add3A_328, %get3A_357 : vector<16xf32>
        scf.yield %add3A_337, %add3A_344, %add3A_351, %add3A_358 : vector<16xf32>, vector<16xf32>, vector<16xf32>, vector<16xf32>
      }
      %scan3A_267 = arith.constant 200 : i32
      %mul3A_268 = arith.constant 5.000000e-03 : f32
      %mul3A_269 = vector.broadcast %mul3A_268 : f32 to vector<16xf32>
      %mul3A_270 = arith.mulf %scan3A_266#0, %mul3A_269 : vector<16xf32>
      %swap3A_271 = arith.constant 0 : index
      %swap3A_272 = tpu.vector_load %arg7[%swap3A_271] {strides = array<i32>} : memref<64xf32, #tpu.memory_space<vmem>>, vector<16xf32>,
      %swap3A_273 = vector.shape_cast %swap3A_272 : vector<16xf32> to vector<16xf32>
      %swap3A_274 = vector.shape_cast %mul3A_270 : vector<16xf32> to vector<16xf32>
      tpu.vector_store %arg7[%swap3A_271], %swap3A_274 {strides = array<i32>} : memref<64xf32, #tpu.memory_space<vmem>>, vector<16xf32>,
      %mul3A_275 = arith.constant 5.000000e-03 : f32
      %mul3A_276 = vector.broadcast %mul3A_275 : f32 to vector<16xf32>
      %mul3A_277 = arith.mulf %scan3A_266#1, %mul3A_276 : vector<16xf32>
      %swap3A_278 = arith.constant 16 : index
      %swap3A_279 = tpu.vector_load %arg7[%swap3A_278] {strides = array<i32>} : memref<64xf32, #tpu.memory_space<vmem>>, vector<16xf32>,
      %swap3A_280 = vector.shape_cast %swap3A_279 : vector<16xf32> to vector<16xf32>
      %swap3A_281 = vector.shape_cast %mul3A_277 : vector<16xf32> to vector<16xf32>
      tpu.vector_store %arg7[%swap3A_278], %swap3A_281 {strides = array<i32>} : memref<64xf32, #tpu.memory_space<vmem>>, vector<16xf32>,
      %mul3A_282 = arith.constant 5.000000e-03 : f32
      %mul3A_283 = vector.broadcast %mul3A_282 : f32 to vector<16xf32>
      %mul3A_284 = arith.mulf %scan3A_266#2, %mul3A_283 : vector<16xf32>
      %swap3A_285 = arith.constant 32 : index
      %swap3A_286 = tpu.vector_load %arg7[%swap3A_285] {strides = array<i32>} : memref<64xf32, #tpu.memory_space<vmem>>, vector<16xf32>,
      %swap3A_287 = vector.shape_cast %swap3A_286 : vector<16xf32> to vector<16xf32>
      %swap3A_288 = vector.shape_cast %mul3A_284 : vector<16xf32> to vector<16xf32>
      tpu.vector_store %arg7[%swap3A_285], %swap3A_288 {strides = array<i32>} : memref<64xf32, #tpu.memory_space<vmem>>, vector<16xf32>,
      %mul3A_289 = arith.constant 5.000000e-03 : f32
      %mul3A_290 = vector.broadcast %mul3A_289 : f32 to vector<16xf32>
      %mul3A_291 = arith.mulf %scan3A_266#3, %mul3A_290 : vector<16xf32>
      %swap3A_292 = arith.constant 48 : index
      %swap3A_293 = tpu.vector_load %arg7[%swap3A_292] {strides = array<i32>} : memref<64xf32, #tpu.memory_space<vmem>>, vector<16xf32>,
      %swap3A_294 = vector.shape_cast %swap3A_293 : vector<16xf32> to vector<16xf32>
      %swap3A_295 = vector.shape_cast %mul3A_291 : vector<16xf32> to vector<16xf32>
      tpu.vector_store %arg7[%swap3A_292], %swap3A_295 {strides = array<i32>} : memref<64xf32, #tpu.memory_space<vmem>>, vector<16xf32>,
      %add3A_296 = arith.addi %mul3A_2, %add3A_259 : i32
      "tpu.region"() ({
        %run_scoped3A = tpu.sem_alloc : memref<!tpu.dma_semaphore, #tpu.memory_space<semaphore_mem>>
        %dma_start3A_297 = arith.constant 0 : i32
        %dma_start3A_298 = tpu.memref_slice %arg4[%add3A_296, %dma_start3A_297] : memref<4096x64xf32, #tpu.memory_space<hbm>> -> memref<1x64xf32, #tpu.memory_space<hbm>>
        %dma_start3A_299 = tpu.memref_squeeze %dma_start3A_298 : memref<1x64xf32, #tpu.memory_space<hbm>> -> memref<64xf32, #tpu.memory_space<hbm>>
        %dma_start3A_300 = arith.constant 0 : i32
        %dma_start3A_301 = tpu.memref_slice %arg4[%add3A_296, %dma_start3A_300] : memref<4096x64xf32, #tpu.memory_space<hbm>> -> memref<1x64xf32, #tpu.memory_space<hbm>>
        %dma_start3A_302 = tpu.memref_squeeze %dma_start3A_301 : memref<1x64xf32, #tpu.memory_space<hbm>> -> memref<64xf32, #tpu.memory_space<hbm>>
        tpu.enqueue_dma source(%arg7 : memref<64xf32, #tpu.memory_space<vmem>>) target(%dma_start3A_302 : memref<64xf32, #tpu.memory_space<hbm>>) target_semaphore(%run_scoped3A : memref<!tpu.dma_semaphore, #tpu.memory_space<semaphore_mem>>)
        %dma_wait3A_303 = arith.constant 0 : i32
        %dma_wait3A_304 = tpu.memref_slice %arg4[%add3A_296, %dma_wait3A_303] : memref<4096x64xf32, #tpu.memory_space<hbm>> -> memref<1x64xf32, #tpu.memory_space<hbm>>
        %dma_wait3A_305 = tpu.memref_squeeze %dma_wait3A_304 : memref<1x64xf32, #tpu.memory_space<hbm>> -> memref<64xf32, #tpu.memory_space<hbm>>
        %dma_wait3A_306 = arith.constant 0 : i32
        %dma_wait3A_307 = tpu.memref_slice %arg4[%add3A_296, %dma_wait3A_306] : memref<4096x64xf32, #tpu.memory_space<hbm>> -> memref<1x64xf32, #tpu.memory_space<hbm>>
        %dma_wait3A_308 = tpu.memref_squeeze %dma_wait3A_307 : memref<1x64xf32, #tpu.memory_space<hbm>> -> memref<64xf32, #tpu.memory_space<hbm>>
        tpu.wait_dma2 semaphore(%run_scoped3A : memref<!tpu.dma_semaphore, #tpu.memory_space<semaphore_mem>>) src(%arg7 : memref<64xf32, #tpu.memory_space<vmem>>) dst(%dma_wait3A_308 : memref<64xf32, #tpu.memory_space<hbm>>)
        tpu.yield
      }) : () -> ()
    }
    %scan3A_53 = arith.constant 64 : i32
    %dma_wait3A_54 = arith.constant 0 : i32
    %dma_wait3A_55 = arith.constant 200 : i32
    %dma_wait3A_56 = tpu.memref_slice %arg5[%dma_wait3A_55] : memref<400xi32, #tpu.memory_space<vmem>> -> memref<200xi32, #tpu.memory_space<vmem>>
    %dma_wait3A_57 = arith.constant 0 : i32
    %dma_wait3A_58 = tpu.memref_slice %arg2[%dma_wait3A_54, %dma_wait3A_57] : memref<4096x200xi32, #tpu.memory_space<hbm>> -> memref<1x200xi32, #tpu.memory_space<hbm>>
    %dma_wait3A_59 = tpu.memref_squeeze %dma_wait3A_58 : memref<1x200xi32, #tpu.memory_space<hbm>> -> memref<200xi32, #tpu.memory_space<hbm>>
    %dma_wait3A_60 = arith.constant 200 : i32
    %dma_wait3A_61 = tpu.memref_slice %arg5[%dma_wait3A_60] : memref<400xi32, #tpu.memory_space<vmem>> -> memref<200xi32, #tpu.memory_space<vmem>>
    %dma_wait3A_62 = arith.constant 0 : i32
    %dma_wait3A_63 = tpu.memref_slice %arg2[%dma_wait3A_54, %dma_wait3A_62] : memref<4096x200xi32, #tpu.memory_space<hbm>> -> memref<1x200xi32, #tpu.memory_space<hbm>>
    %dma_wait3A_64 = tpu.memref_squeeze %dma_wait3A_63 : memref<1x200xi32, #tpu.memory_space<hbm>> -> memref<200xi32, #tpu.memory_space<hbm>>
    tpu.wait_dma2 semaphore(%arg9 : memref<!tpu.dma_semaphore, #tpu.memory_space<semaphore_mem>>) src(%dma_wait3A_64 : memref<200xi32, #tpu.memory_space<hbm>>) dst(%dma_wait3A_61 : memref<200xi32, #tpu.memory_space<vmem>>)
    %dma_wait3A_65 = arith.constant 0 : i32
    %dma_wait3A_66 = arith.constant 0 : i32
    %dma_wait3A_67 = tpu.memref_slice %arg6[%dma_wait3A_65, %dma_wait3A_66] : memref<400x64xf32, #tpu.memory_space<vmem>> -> memref<104x64xf32, #tpu.memory_space<vmem>>
    %dma_wait3A_68 = arith.constant 0 : i32
    %dma_wait3A_69 = arith.constant 0 : i32
    %dma_wait3A_70 = tpu.memref_slice %arg3[%dma_wait3A_68, %dma_wait3A_69] : memref<1003520x64xf32, #tpu.memory_space<hbm>> -> memref<104x64xf32, #tpu.memory_space<hbm>>
    %dma_wait3A_71 = arith.constant 0 : i32
    %dma_wait3A_72 = arith.constant 0 : i32
    %dma_wait3A_73 = tpu.memref_slice %arg6[%dma_wait3A_71, %dma_wait3A_72] : memref<400x64xf32, #tpu.memory_space<vmem>> -> memref<104x64xf32, #tpu.memory_space<vmem>>
    %dma_wait3A_74 = arith.constant 0 : i32
    %dma_wait3A_75 = arith.constant 0 : i32
    %dma_wait3A_76 = tpu.memref_slice %arg3[%dma_wait3A_74, %dma_wait3A_75] : memref<1003520x64xf32, #tpu.memory_space<hbm>> -> memref<104x64xf32, #tpu.memory_space<hbm>>
    tpu.wait_dma2 semaphore(%arg10 : memref<!tpu.dma_semaphore, #tpu.memory_space<semaphore_mem>>) src(%dma_wait3A_76 : memref<104x64xf32, #tpu.memory_space<hbm>>) dst(%dma_wait3A_73 : memref<104x64xf32, #tpu.memory_space<vmem>>)
    %dma_wait3A_77 = arith.constant 104 : i32
    %dma_wait3A_78 = arith.constant 0 : i32
    %dma_wait3A_79 = tpu.memref_slice %arg6[%dma_wait3A_77, %dma_wait3A_78] : memref<400x64xf32, #tpu.memory_space<vmem>> -> memref<96x64xf32, #tpu.memory_space<vmem>>
    %dma_wait3A_80 = arith.constant 0 : i32
    %dma_wait3A_81 = arith.constant 0 : i32
    %dma_wait3A_82 = tpu.memref_slice %arg3[%dma_wait3A_80, %dma_wait3A_81] : memref<1003520x64xf32, #tpu.memory_space<hbm>> -> memref<96x64xf32, #tpu.memory_space<hbm>>
    %dma_wait3A_83 = arith.constant 104 : i32
    %dma_wait3A_84 = arith.constant 0 : i32
    %dma_wait3A_85 = tpu.memref_slice %arg6[%dma_wait3A_83, %dma_wait3A_84] : memref<400x64xf32, #tpu.memory_space<vmem>> -> memref<96x64xf32, #tpu.memory_space<vmem>>
    %dma_wait3A_86 = arith.constant 0 : i32
    %dma_wait3A_87 = arith.constant 0 : i32
    %dma_wait3A_88 = tpu.memref_slice %arg3[%dma_wait3A_86, %dma_wait3A_87] : memref<1003520x64xf32, #tpu.memory_space<hbm>> -> memref<96x64xf32, #tpu.memory_space<hbm>>
    tpu.wait_dma2 semaphore(%arg10 : memref<!tpu.dma_semaphore, #tpu.memory_space<semaphore_mem>>) src(%dma_wait3A_88 : memref<96x64xf32, #tpu.memory_space<hbm>>) dst(%dma_wait3A_85 : memref<96x64xf32, #tpu.memory_space<vmem>>)
    return
  }
}

</mosaic_0001>

<sc_bundles>
// kernel: _pool_mean.3.cloned.1.call-start
scs
__scs_entry_jumppad:
0x0: {  	(pc) =	sbr.rel $0x88, $3  }
0x1: {  	(tag) =	ssettag $0x0;
	lr =	simm.s32 $0x1  }
0x2: {  	[smem:$0x3F9F] =	sst lr;
	_ =	strace $0xD0000000  }
0x3: {  	_ = 	snop  }
0x4: {  	_ = 	snop  }
0x5: {  	_ = 	snop  }
0x6: {  	_ = 	snop  }
0x7: {  	_ = 	snop  }
__scs_overlays_trampoline_lowered:
0x8: {  	[smem:$0x3FAE] =	sst s0  }
0x9: {  	[smem:$0x3FAF] =	sst s1  }
0xa: {  	[smem:$0x3FB0] =	sst s2  }
0xb: {  	[smem:$0x3FB1] =	sst s3  }
0xc: {  	[smem:$0x3FB2] =	sst s4  }
0xd: {  	[smem:$0x3FB3] =	sst s5  }
0xe: {  	[smem:$0x3FB4] =	sst s6  }
0xf: {  	[smem:$0x3FB5] =	sst s7  }
0x10: {  	[smem:$0x3FB6] =	sst s8  }
0x11: {  	[smem:$0x3FB7] =	sst s9;
	s0 =	simm.s32 @!p0 $0x0  }
0x12: {  	s1 =	sld [smem:$0x3F9D];
	s0 =	simm.s32 @p0 $0x1  }
0x13: {  	[smem:$0x3FB8] =	sst s0;
	s0 =	simm.s32 @!p1 $0x0  }
0x14: {  	s2 =	sld [smem:$0x3F9C];
	s0 =	simm.s32 @p1 $0x1  }
0x15: {  	[smem:$0x3FB9] =	sst s0;
	s0 =	simm.s32 @!p2 $0x0  }
0x16: {  	s3 =	sld [smem:$0x3FDB];
	s0 =	simm.s32 @p2 $0x1  }
0x17: {  	s4 =	simm.s32 $0x1BF5;
	[smem:$0x3FBB] =	sst s0  }
0x18: {  	s0 =	sld [smem:$0x3F9E];
	_ =	swait.ge [sflag:s4], $0x0  }
0x19: {  	s7 =	sld [smem:$0x3F9F]  }
0x1a: {  	s8 =	sadd.s32 $0xFFFFE003, lr  }
0x1b: {  	s9 =	sadd.s32 $0xFFFFFEF7, lr;
	s5 =	simm.s32 $0xFFFFFFFF;
	p2 =	slt.u32 s8, $0xFFFFF086  }
0x1c: {  	p1 =	slt.u32 s9, $0xF7A;
	s5 =	simm.s32 @!p2 $0x0  }
0x1d: {  	s5 =	simm.s32 @p1 $0x1;
	p0 =	seq.s32 s7, s2  }
0x1e: {  	s7 =	smul.u32 @!p0 $0xF7A, s2;
	p2 =	seq.s32 @!p0 s5, $0x0  }
0x1f: {  	s9 =	smul.u32 $0xF7A, s1;
	s8 =	simm.s32 @!p0 $0x1BF5;
	p2 =	por !p2, p0  }
0x20: {  	[sflag:s8] =	ssyncset.s32 @!p0 $0xFFFFF086;
	s6 =	sadd.s32 @!p0 s3, s7;
	s7 =	simm.s32 @!p0 $0x108  }
0x21: {  	s3 =	sadd.s32 s3, s9;
	s6 =	sadd.s32 @!p0 $0x88, s6;
	s7 =	simm.s32 @p2 $0x1082  }
0x22: {  	[simem:s7], [sflag:s8] =	dma.local @!p0 [hbm:s6], $0xF7A  }
0x23: {  	s9 =	sor.u32 $0xD0000000, s2;
	s6 =	simm.s32 $0x108;
	_ =	swait.ge @!p0 [sflag:s8], $0x0  }
0x24: {  	s3 =	sadd.s32 $0x88, s3;
	s6 =	simm.s32 @!p1 $0x1082;
	[sflag:s4] =	ssyncset.s32 $0xFFFFF086  }
0x25: {  	[simem:s6], [sflag:s4] =	dma.local [hbm:s3], $0xF7A  }
0x26: {  	[smem:$0x3F9F] =	sst s1;
	(tag) =	ssettag s2;
	_ =	strace s9  }
0x27: {  	s1 =	sld [smem:$0x3FAF]  }
0x28: {  	s2 =	sld [smem:$0x3FB0]  }
0x29: {  	s4 =	sld [smem:$0x3FB2]  }
0x2a: {  	p0 =	seq.s32 s5, $0x0;
	s5 =	sld [smem:$0x3FB3]  }
0x2b: {  	s6 =	sld [smem:$0x3FB4]  }
0x2c: {  	s7 =	sld [smem:$0x3FB5]  }
0x2d: {  	s3 =	simm.s32 $0x108;
	s8 =	sld [smem:$0x3FB6]  }
0x2e: {  	s3 =	simm.s32 @!p0 $0x1082;
	s9 =	sld [smem:$0x3FB7]  }
0x2f: {  	lr =	sadd.s32 s0, s3;
	s0 =	sld [smem:$0x3FAE]  }
0x30: {  	s3 =	sld [smem:$0x3FB1]  }
0x31: {  	[smem:$0x3FBA] =	sst s10  }
0x32: {  	s10 =	sld [smem:$0x3FB8];
	_ =	sdelay $0x3  }
0x33: {  	p0 =	seq.s32 s10, $0x1;
	s10 =	sld [smem:$0x3FBA];
	_ =	sdelay $0x3  }
0x34: {  	[smem:$0x3FBA] =	sst s10  }
0x35: {  	s10 =	sld [smem:$0x3FB9];
	_ =	sdelay $0x3  }
0x36: {  	p1 =	seq.s32 s10, $0x1;
	s10 =	sld [smem:$0x3FBA];
	_ =	sdelay $0x3  }
0x37: {  	[smem:$0x3FBA] =	sst s10  }
0x38: {  	s10 =	sld [smem:$0x3FBB]  }
0x39: {  	_ = 	snop;
	(pc) =	sbr.ind lr, $3  }
0x3a: {  	_ = 	snop  }
0x3b: {  	_ = 	snop  }
0x3c: {  	p2 =	seq.s32 s10, $0x1;
	s10 =	sld [smem:$0x3FBA]  }
0x3d: {  	_ =	shalt  }
0x3e: {  	_ =	shalt  }
0x3f: {  	_ =	shalt  }
0x40: {  	_ =	shalt  }
0x41: {  	_ =	shalt  }
0x42: {  	_ =	shalt  }
0x43: {  	_ =	shalt  }
0x44: {  	_ =	shalt  }
0x45: {  	_ =	shalt  }
0x46: {  	_ =	shalt  }
0x47: {  	_ =	shalt  }
0x48: {  	_ =	shalt  }
0x49: {  	_ =	shalt  }
0x4a: {  	_ =	shalt  }
0x4b: {  	_ =	shalt  }
0x4c: {  	_ =	shalt  }
0x4d: {  	_ =	shalt  }
0x4e: {  	_ =	shalt  }
0x4f: {  	_ =	shalt  }
0x50: {  	_ =	shalt  }
0x51: {  	_ =	shalt  }
0x52: {  	_ =	shalt  }
0x53: {  	_ =	shalt  }
0x54: {  	_ =	shalt  }
0x55: {  	_ =	shalt  }
0x56: {  	_ =	shalt  }
0x57: {  	_ =	shalt  }
0x58: {  	_ =	shalt  }
0x59: {  	_ =	shalt  }
0x5a: {  	_ =	shalt  }
0x5b: {  	_ =	shalt  }
0x5c: {  	_ =	shalt  }
0x5d: {  	_ =	shalt  }
0x5e: {  	_ =	shalt  }
0x5f: {  	_ =	shalt  }
0x60: {  	_ =	shalt  }
0x61: {  	_ =	shalt  }
0x62: {  	_ =	shalt  }
0x63: {  	_ =	shalt  }
0x64: {  	_ =	shalt  }
0x65: {  	_ =	shalt  }
0x66: {  	_ =	shalt  }
0x67: {  	_ =	shalt  }
0x68: {  	_ =	shalt  }
0x69: {  	_ =	shalt  }
0x6a: {  	_ =	shalt  }
0x6b: {  	_ =	shalt  }
0x6c: {  	_ =	shalt  }
0x6d: {  	_ =	shalt  }
0x6e: {  	_ =	shalt  }
0x6f: {  	_ =	shalt  }
0x70: {  	_ =	shalt  }
0x71: {  	_ =	shalt  }
0x72: {  	_ =	shalt  }
0x73: {  	_ =	shalt  }
0x74: {  	_ =	shalt  }
0x75: {  	_ =	shalt  }
0x76: {  	_ =	shalt  }
0x77: {  	_ =	shalt  }
0x78: {  	_ =	shalt  }
0x79: {  	_ =	shalt  }
0x7a: {  	_ =	shalt  }
0x7b: {  	_ =	shalt  }
0x7c: {  	_ =	shalt  }
0x7d: {  	_ =	shalt  }
0x7e: {  	_ =	shalt  }
0x7f: {  	_ =	shalt  }
0x80: {  	_ =	shalt  }
0x81: {  	_ =	shalt  }
0x82: {  	_ =	shalt  }
0x83: {  	_ =	shalt  }
0x84: {  	_ =	shalt  }
0x85: {  	_ =	shalt  }
0x86: {  	_ =	shalt  }
0x87: {  	_ =	shalt  }
.Lfunc_end0:
.L_simem_size_0:
called_computation_lowered:
.L_overlay_start_0:
0x88: {  	s2 =	sld [smem:$0x3FD9]  }
0x89: {  	s3 =	sld [smem:$0x3FFE];
	_ =	sdelay $0x1  }
0x8a: {  	s1 =	srdreg.scid  }
0x8b: {  	s0 =	sand.u32 $0x1, s1  }
0x8c: {  	s17 =	sshll.u32 s0, $0xA;
	s2 =	sadd.s32 s3, s2  }
0x8d: {  	s2 =	sadd.s32 s2, s17  }
0x8e: {  	[smem:$0x3FC6] =	sst s2  }
0x8f: {  	_ = 	snop  }
0x90: {  	s2 =	sld [smem:$0x3FD0];
	(tm) =	ssettm $0x1  }
0x91: {  	s18 =	sld [smem:$0x3FFB];
	_ =	sdelay $0x3  }
0x92: {  	_ =	strace s18  }
0x93: {  	s3 =	sld [smem:$0x3FFC];
	_ =	sdelay $0x3  }
0x94: {  	_ =	strace s3  }
0x95: {  	s3 =	sld [smem:$0x3FFD];
	_ =	sdelay $0x3  }
0x96: {  	_ =	strace s3  }
0x97: {  	_ =	strace $0x8FFFFFFF  }
0x98: {  	s19 =	sld [smem:$0x3FDB];
	_ =	sdelay $0x1  }
0x99: {  	s4 =	simm.s32 $_scs_section_size  }
0x9a: {  	s5 =	simm.s32 $_size__tile_overlayer_lowered;
	s6 =	simm.s32 $_tile_overlayer_lowered  }
0x9b: {  	s22 =	simm.s32 $0x1BFF;
	s21 =	sshll.u32 s6, $0x1;
	s3 =	sadd.s32 s4, s19  }
0x9c: {  	s7 =	simm.s32 $0x0;
	s20 =	sshll.u32 s5, $0x1;
	s5 =	sadd.s32 s21, s3  }
0x9d: {  	[timem:s7], [sflag:s22] =	dma.local [hbm:s5], s20  }
0x9e: {  	_ =	swait.ge [sflag:s22], s20  }
0x9f: {  	s4 =	ssub.s32 $0x0, s20;
	[sflag:s22] =	ssyncset.done $0x0  }
0xa0: {  	[sflag:s22] =	ssyncadd.s32 s4;
	_ =	sdelay $0x1  }
0xa1: {  	s23 =	simm.s32 $0x1B8B  }
0xa2: {  	_ =	swait.ge [sflag:s23], $0x1  }
0xa3: {  	[sflag:s23] =	ssyncset.done $0x0  }
0xa4: {  	s25 =	simm.s32 $0x1B8E;
	s24 =	sld [smem:$0x3FFE];
	[sflag:s23] =	ssyncadd.s32 $0xFFFFFFFF  }
0xa5: {  	s26 =	simm.s32 $execute0_lowered;
	[smem:$0x3FD2] =	sst s25  }
0xa6: {  	s5 =	sshll.u32 s26, $0x1;
	_ =	strace $0x80000046;
	[dreg:$0x1] =	wrdreg $0xFFFFFFFF  }
0xa7: {  	s28 =	simm.s32 $_size_execute0_lowered;
	s3 =	sadd.s32 s3, s5;
	[dreg:$0x0] =	wrdreg $0x0  }
0xa8: {  	s5 =	sshll.u32 s28, $0x1;
	[dreg:$0x2] =	wrdreg s3  }
0xa9: {  	[dreg:$0x3] =	wrdreg s5  }
0xaa: {  	[dreg:$0x4] =	wrdreg $0xC0  }
0xab: {  	_ =	task [dreg:s7], $0x5FFFF  }
0xac: {  	[dreg:$0x1] =	wrdreg $0xFFFFFFFF  }
0xad: {  	[dreg:$0x0] =	wrdreg $0x60  }
0xae: {  	[dreg:$0x2] =	wrdreg s24  }
0xaf: {  	[dreg:$0x3] =	wrdreg s2  }
0xb0: {  	[dreg:$0x4] =	wrdreg $0x9  }
0xb1: {  	_ =	task.clear_ibuf [dreg:s7], $0x5FFFF;
	_ =	strace $0x90000046  }
0xb2: {  	s29 =	simm.s32 $0x9;
	_ =	strace $0x80000048  }
0xb3: {  	_ =	swait.ge [sflag:s29], $0x1  }
0xb4: {  	[sflag:s29] =	ssyncadd.s32 $0xFFFFFFFF  }
0xb5: {  	_ =	strace $0x90000048  }
0xb6: {  	_ =	sfence  }
0xb7: {  	s30 =	sld [smem:$0x0];
	_ =	sdelay $0x2  }
0xb8: {  	s31 =	sshll.u32 s1, $0xD;
	s1 =	sshrl.u32 s1, $0x2  }
0xb9: {  	s3 =	sand.u32 $0x4000, s31;
	s1 =	sadd.s32 s1, s30  }
0xba: {  	s0 =	sor.u32 s3, s0;
	s1 =	sshll.u32 s1, $0x11  }
0xbb: {  	s0 =	sor.u32 s1, s0  }
0xbc: {  	s0 =	sadd.s32 $0x8F2B, s0  }
0xbd: {  	[sflag:s0] =	ssyncadd.remote.s32 $0x1  }
0xbe: {  	_ =	sfence.sel $0xFFFF  }
0xbf: {  	[dreg:$0x0] =	wrdreg $0xFFFFFFFF;
	(pc) =	sbr.abs _section_cstart, $3  }
0xc0: {  	[dreg:$0x1] =	wrdreg $0xFFFFFFFF  }
0xc1: {  	_ =	task.clear_ibuf [dreg:s7], $0x2FFFF;
	_ =	strace $0x9FFFFFFF  }
0xc2: {  	(tm) =	ssettm $0x7FFFFFFF  }
0xc3: {  	_ =	shalt  }
tec
execute0_lowered:
.L_overlay_start_1:
0x0: {  	(tag) =	ssettag $0x1  }
0x1: {  	s1 =	srdreg.scid;
	s7 =	rddreg [dreg:$0x0]  }
0x2: {  	s0 =	stileid.u32;
	s2 =	rddreg [dreg:$0x1];
	s4 =	simm.s32 $0x0  }
0x3: {  	s12 =	simm.s32 $0xC8;
	s13 =	simm.s32 $0x1;
	s14 =	simm.s32 $0x68  }
0x4: {  	s15 =	simm.s32 $0x190;
	s16 =	simm.s32 $0x60;
	s17 =	simm.s32 $0x1B90  }
0x5: {  	s18 =	simm.s32 $0x2;
	s19 =	simm.s32 $0x3390;
	s20 =	simm.s32 $0x130  }
0x6: {  	s21 =	simm.s32 $0x4D90;
	s22 =	simm.s32 $0x3;
	s23 =	simm.s32 $0x6590  }
0x7: {  	s24 =	simm.s32 $0x5;
	s25 =	simm.s32 $0x4;
	s6 =	sand.u32 $0x1, s1  }
0x8: {  	s31 =	sshll.u32 s0, $0x8;
	s1 =	rddreg [dreg:$0x2];
	s3 =	sshll.u32 s6, $0x7  }
0x9: {  	s26 =	simm.s32 $0x0;
	[smem:$0x7FF] =	sst s4;
	s3 =	sor.u32 s3, s31  }
0xa: {  	s5 =	sadd.s32 $0x600, s7;
	s9 =	ssub.s32 $0x2, s6;
	s8 =	smul.u32 $0x19, s3  }
0xb: {  	s7 =	sadd.s32 $0xF50600, s7;
	_ =	strace $0x80000047;
	s10 =	sshrl.u32 s9, $0x1  }
0xc: {  	s11 =	ssub.s32 s9, s10;
	s9 =	sor.u32 $0x2, s3;
	s6 =	sadd.s32 s5, s8  }
0xd: {  	s10 =	sor.u32 $0x3, s3;
	s11 =	smax.u32 s11, $0x1;
	s8 =	sadd.s32 $0x19, s6  }
.LBB2_1:
0xe: {  	[tilespmem:s4], [sflag:$0x1] =	stream.linear.gather [hbm4b:s6+s4], $0xC8, $0x38;
	[tilespmem:$0x65D0] =	vst v63  }
0xf: {  	_ = 	snop  }
0x10: {  	[tilespmem:s12], [sflag:$0x2] =	stream.linear.gather [hbm4b:s8+s4], $0xC8, $0x38;
	[tilespmem:$0x65D0] =	vst v63  }
0x11: {  	_ =	swait.ge [sflag:s13], $0xC8  }
0x12: {  	[sflag:s13] =	ssyncset.done $0x0  }
0x13: {  	[sflag:s13] =	ssyncadd.s32 $0xFFFFFF38  }
0x14: {  	[tilespmem:s15], [sflag:$0x3] =	stream.indirect.gather [hbm4b:s7+s14], $0x40, s4, s14, $0xb8;
	[tilespmem:$0x65D0] =	vst v63  }
0x15: {  	s28 =	simm.s32 $0x0  }
0x16: {  	[tilespmem:s17], [sflag:$0x3] =	stream.indirect.gather [hbm4b:s7+s16], $0x40, s14, s16, $0xb8;
	[tilespmem:$0x65D0] =	vst v63  }
.LBB2_2:
0x17: {  	_ =	swait.ge [sflag:s18], $0xC8  }
0x18: {  	[sflag:s18] =	ssyncset.done $0x0  }
0x19: {  	[sflag:s18] =	ssyncadd.s32 $0xFFFFFF38  }
0x1a: {  	[tilespmem:s19], [sflag:$0x4] =	stream.indirect.gather [hbm4b:s7+s14], $0x40, s12, s14, $0xb8;
	[tilespmem:$0x65D0] =	vst v63  }
0x1b: {  	_ = 	snop  }
0x1c: {  	[tilespmem:s21], [sflag:$0x4] =	stream.indirect.gather [hbm4b:s7+s16], $0x40, s20, s16, $0xb8;
	[tilespmem:$0x65D0] =	vst v63  }
0x1d: {  	s29 =	sshll.u32 s28, $0x1;
	_ =	swait.ge [sflag:s22], $0x1A00  }
0x1e: {  	s30 =	smin.u32 s29, $0x7D;
	[sflag:s22] =	ssyncset.done $0x0  }
0x1f: {  	s30 =	sadd.s32 s30, s9;
	[sflag:s22] =	ssyncadd.s32 $0xFFFFE600  }
0x20: {  	s30 =	smul.u32 $0x19, s30;
	_ =	swait.ge [sflag:s22], $0x1800  }
0x21: {  	[sflag:s22] =	ssyncset.done $0x0  }
0x22: {  	s31 =	simm.s32 $0x1D0;
	s30 =	sadd.s32 s5, s30;
	[sflag:s22] =	ssyncadd.s32 $0xFFFFE800  }
0x23: {  	[tilespmem:s4], [sflag:$0x1] =	stream.linear.gather [hbm4b:s30+s4], $0xC8, $0x38;
	[tilespmem:$0x65D0] =	vst v63  }
0x24: {  	v1 =	vld [tilespmem:s31+$0x0]  }
0x25: {  	v2 =	vld [tilespmem:s31+$0x10]  }
0x26: {  	v0 =	vld [tilespmem:s31+$0xFFFFFFC0]  }
0x27: {  	v3 =	vld [tilespmem:s31+$0xFFFFFFD0]  }
0x28: {  	v5 =	vld [tilespmem:s31+$0xFFFFFFE0]  }
0x29: {  	v6 =	vld [tilespmem:s31+$0xFFFFFFF0]  }
0x2a: {  	v8 =	vimm.f32 $0.0e+00;
	v4 =	vld [tilespmem:s31+$0x20]  }
0x2b: {  	v10 =	vimm.f32 $0.0e+00;
	v11 =	vimm.f32 $0.0e+00;
	v9 =	vimm.f32 $0.0e+00;
	s30 =	simm.s32 $0x0;
	v7 =	vld [tilespmem:s31+$0x30];
	s31 =	simm.s32 $0x250  }
.LBB2_3:
0x2c: {  	v12 =	vld [tilespmem:s31+$0x0]  }
0x2d: {  	v8 =	vadd.f32 v0, v8;
	v10 =	vadd.f32 v3, v10;
	s30 =	sadd.s32 $0x2, s30;
	v13 =	vld [tilespmem:s31+$0x10]  }
0x2e: {  	v11 =	vadd.f32 v5, v11;
	p0 =	slt.u32 s30, $0xC6;
	v0 =	vld [tilespmem:s31+$0xFFFFFFC0];
	v6 =	vadd.f32 v6, v9  }
.Ltmp0:
0x2f: {  	v8 =	vadd.f32 v1, v8;
	v10 =	vadd.f32 v2, v10;
	v3 =	vld [tilespmem:s31+$0xFFFFFFD0];
	(pc) =	sbr.rel @p0 .LBB2_3-.Ltmp0, $4  }
0x30: {  	v11 =	vadd.f32 v4, v11;
	v5 =	vld [tilespmem:s31+$0xFFFFFFE0];
	v9 =	vadd.f32 v7, v6  }
0x31: {  	v6 =	vld [tilespmem:s31+$0xFFFFFFF0];
	v1 =	vmov v12  }
0x32: {  	v4 =	vld [tilespmem:s31+$0x20];
	v2 =	vmov v13  }
0x33: {  	v7 =	vld [tilespmem:s31+$0x30];
	s31 =	sadd.s32 $0x80, s31  }
0x34: {  	v0 =	vadd.f32 v0, v8  }
0x35: {  	v3 =	vadd.f32 v3, v10  }
0x36: {  	v5 =	vadd.f32 v5, v11;
	v0 =	vadd.f32 v1, v0  }
0x37: {  	v1 =	vadd.f32 v6, v9;
	v2 =	vadd.f32 v2, v3  }
0x38: {  	v3 =	vadd.f32 v4, v5;
	v0 =	vmul.f32 $4.999999890e-03, v0  }
0x39: {  	v1 =	vadd.f32 v7, v1;
	v2 =	vmul.f32 $4.999999890e-03, v2  }
0x3a: {  	[tilespmem:$0x6590] =	vst v0;
	v0 =	vmul.f32 $4.999999890e-03, v3  }
0x3b: {  	s30 =	sadd.s32 s3, s29;
	[tilespmem:$0x65A0] =	vst v2;
	v1 =	vmul.f32 $4.999999890e-03, v1  }
0x3c: {  	s30 =	sshll.u32 s30, $0x3;
	[tilespmem:$0x65B0] =	vst v0  }
0x3d: {  	s30 =	sadd.s32 s2, s30;
	[tilespmem:$0x65C0] =	vst v1  }
0x3e: {  	[hbm4b:s30+s4] =	stream.linear.scatter [tilespmem:s23], [sflag:$0x5], $0x40, $0x38;
	[tilespmem:$0x65D0] =	vst v63  }
0x3f: {  	_ =	swait.ge [sflag:s24], $0x40  }
0x40: {  	[sflag:s24] =	ssyncset.done $0x0  }
0x41: {  	[sflag:s24] =	ssyncadd.s32 $0xFFFFFFC0  }
0x42: {  	_ =	swait.ge [sflag:s13], $0xC8  }
0x43: {  	[sflag:s13] =	ssyncset.done $0x0  }
0x44: {  	[sflag:s13] =	ssyncadd.s32 $0xFFFFFF38  }
0x45: {  	[tilespmem:s15], [sflag:$0x3] =	stream.indirect.gather [hbm4b:s7+s14], $0x40, s4, s14, $0xb8;
	[tilespmem:$0x65D0] =	vst v63  }
0x46: {  	_ = 	snop  }
0x47: {  	[tilespmem:s17], [sflag:$0x3] =	stream.indirect.gather [hbm4b:s7+s16], $0x40, s14, s16, $0xb8;
	[tilespmem:$0x65D0] =	vst v63  }
0x48: {  	_ =	swait.ge [sflag:s25], $0x1A00  }
0x49: {  	s30 =	smin.u32 s29, $0x7C;
	[sflag:s25] =	ssyncset.done $0x0  }
0x4a: {  	s30 =	sadd.s32 s30, s10;
	[sflag:s25] =	ssyncadd.s32 $0xFFFFE600  }
0x4b: {  	s30 =	smul.u32 $0x19, s30;
	_ =	swait.ge [sflag:s25], $0x1800  }
0x4c: {  	[sflag:s25] =	ssyncset.done $0x0  }
0x4d: {  	s31 =	simm.s32 $0x3400;
	s30 =	sadd.s32 s5, s30;
	[sflag:s25] =	ssyncadd.s32 $0xFFFFE800  }
0x4e: {  	[tilespmem:s12], [sflag:$0x2] =	stream.linear.gather [hbm4b:s30+s4], $0xC8, $0x38;
	[tilespmem:$0x65D0] =	vst v63  }
0x4f: {  	v1 =	vld [tilespmem:s31+$0xFFFFFFD0]  }
0x50: {  	v2 =	vld [tilespmem:s31+$0xFFFFFFE0]  }
0x51: {  	v0 =	vld [tilespmem:s31+$0xFFFFFF90]  }
0x52: {  	v3 =	vld [tilespmem:s31+$0xFFFFFFA0]  }
0x53: {  	v5 =	vld [tilespmem:s31+$0xFFFFFFB0]  }
0x54: {  	v6 =	vld [tilespmem:s31+$0xFFFFFFC0]  }
0x55: {  	v8 =	vimm.f32 $0.0e+00;
	v4 =	vld [tilespmem:s31+$0xFFFFFFF0]  }
0x56: {  	v10 =	vimm.f32 $0.0e+00;
	v11 =	vimm.f32 $0.0e+00;
	v9 =	vimm.f32 $0.0e+00;
	s30 =	simm.s32 $0x0;
	v7 =	vld [tilespmem:s31+$0x0];
	s31 =	simm.s32 $0x3480  }
.LBB2_5:
0x57: {  	v12 =	vld [tilespmem:s31+$0xFFFFFFD0]  }
0x58: {  	v8 =	vadd.f32 v0, v8;
	v10 =	vadd.f32 v3, v10;
	s30 =	sadd.s32 $0x2, s30;
	v13 =	vld [tilespmem:s31+$0xFFFFFFE0]  }
0x59: {  	v11 =	vadd.f32 v5, v11;
	p0 =	slt.u32 s30, $0xC6;
	v0 =	vld [tilespmem:s31+$0xFFFFFF90];
	v6 =	vadd.f32 v6, v9  }
.Ltmp1:
0x5a: {  	v8 =	vadd.f32 v1, v8;
	v10 =	vadd.f32 v2, v10;
	v3 =	vld [tilespmem:s31+$0xFFFFFFA0];
	(pc) =	sbr.rel @p0 .LBB2_5-.Ltmp1, $4  }
0x5b: {  	v11 =	vadd.f32 v4, v11;
	v5 =	vld [tilespmem:s31+$0xFFFFFFB0];
	v9 =	vadd.f32 v7, v6  }
0x5c: {  	v6 =	vld [tilespmem:s31+$0xFFFFFFC0];
	v1 =	vmov v12  }
0x5d: {  	v4 =	vld [tilespmem:s31+$0xFFFFFFF0];
	v2 =	vmov v13  }
0x5e: {  	v7 =	vld [tilespmem:s31+$0x0];
	s31 =	sadd.s32 $0x80, s31  }
0x5f: {  	v0 =	vadd.f32 v0, v8  }
0x60: {  	v3 =	vadd.f32 v3, v10  }
0x61: {  	v5 =	vadd.f32 v5, v11;
	v0 =	vadd.f32 v1, v0  }
0x62: {  	v61 =	vadd.f32 v6, v9;
	v2 =	vadd.f32 v2, v3  }
0x63: {  	v62 =	vadd.f32 v4, v5;
	v0 =	vmul.f32 $4.999999890e-03, v0  }
0x64: {  	v1 =	vadd.f32 v7, v61;
	v2 =	vmul.f32 $4.999999890e-03, v2  }
0x65: {  	s29 =	sadd.s32 s29, s3;
	v63 =	vmul.f32 $4.999999890e-03, v62;
	[tilespmem:$0x6590] =	vst v0  }
0x66: {  	s28 =	sadd.s32 $0x1, s28;
	s29 =	sshll.u32 s29, $0x3;
	[tilespmem:$0x65A0] =	vst v2;
	v1 =	vmul.f32 $4.999999890e-03, v1  }
0x67: {  	p0 =	sne.s32 s28, $0x40;
	s29 =	sadd.s32 s2, s29;
	[tilespmem:$0x65B0] =	vst v63  }
.Ltmp2:
0x68: {  	s29 =	sadd.s32 $0x8, s29;
	[tilespmem:$0x65C0] =	vst v1;
	(pc) =	sbr.rel @p0 .LBB2_2-.Ltmp2, $4  }
0x69: {  	[hbm4b:s29+s4] =	stream.linear.scatter [tilespmem:s23], [sflag:$0x5], $0x40, $0x38;
	[tilespmem:$0x65D0] =	vst v63  }
0x6a: {  	_ =	swait.ge [sflag:s24], $0x40  }
0x6b: {  	[sflag:s24] =	ssyncset.done $0x0  }
0x6c: {  	[sflag:s24] =	ssyncadd.s32 $0xFFFFFFC0  }
0x6d: {  	_ =	swait.ge [sflag:s18], $0xC8  }
0x6e: {  	[sflag:s18] =	ssyncset.done $0x0  }
0x6f: {  	s26 =	sadd.s32 $0x1, s26;
	[sflag:s18] =	ssyncadd.s32 $0xFFFFFF38  }
0x70: {  	p0 =	sne.s32 s26, s11;
	_ =	swait.ge [sflag:s22], $0x1A00  }
.Ltmp3:
0x71: {  	[sflag:s22] =	ssyncset.done $0x0;
	(pc) =	sbr.rel @p0 .LBB2_1-.Ltmp3, $4  }
0x72: {  	[sflag:s22] =	ssyncadd.s32 $0xFFFFE600  }
0x73: {  	_ =	swait.ge [sflag:s22], $0x1800  }
0x74: {  	[sflag:s22] =	ssyncset.done $0x0  }
0x75: {  	[sflag:s22] =	ssyncadd.s32 $0xFFFFE800  }
0x76: {  	_ =	sfence.sel $0x180000  }
0x77: {  	[bflag:$0x0] =	sbarrier.arrive $0xFFFF  }
0x78: {  	p0 =	sne.s32 s0, $0x0;
	_ =	strace $0x90000047  }
0x79: {  	s0 =	sadd.s32 @!p0 $0x100000, s1;
	[bflag:$0x2] =	sbarrier.arrive $0xFFFF  }
0x7a: {  	[sflag:s0] =	ssyncadd.tile.s32 @!p0 $0x1;
	_ =	shalt  }
.Lfunc_end2:
_tile_overlayer_lowered:
.L_overlay_start_2:
0x7b: {  	(tag) =	ssettag $0x2  }
0x7c: {  	s0 =	rddreg [dreg:$0x0];
	s2 =	stileid.u32  }
0x7d: {  	s1 =	rddreg [dreg:$0x1];
	p0 =	sne.s32 s2, $0x0  }
0x7e: {  	s3 =	rddreg [dreg:$0x2];
	[bflag:$0x3] =	sbarrier.arrive $0xFFFF;
	s2 =	simm.s32 @!p0 $0x1C05  }
0x7f: {  	[timem:s3], [sflag:s2] =	dma.local @!p0 [hbm:s0], s1  }
0x80: {  	s0 =	simm.s32 @!p0 $0x5  }
0x81: {  	_ =	swait.ge @!p0 [sflag:s0], s1  }
0x82: {  	s1 =	ssub.s32 @!p0 $0x0, s1;
	[sflag:s0] =	ssyncset.done @!p0 $0x0  }
0x83: {  	[sflag:s0] =	ssyncadd.s32 @!p0 s1  }
0x84: {  	[bflag:$0x3] =	sbarrier.arrive $0xFFFF  }
0x85: {  	_ =	shalt  }

</sc_bundles>
